<compile_context>
chip_gen: v7x
topology: tpu7x:2x2x1
jax: 0.10.2.dev20260603
libtpu: 0.0.44.dev20260713+nightly
codegen_flags: <defaults>
</compile_context>

<pallas_src>
import functools

import jax
import jax.numpy as jnp
from jax import lax
from jax.experimental import pallas as pl
from jax.experimental.pallas import tpu as pltpu
from jax.experimental.pallas import tpu_sc as plsc

N, E, F, H, DE = 10000, 320000, 128, 128, 16
TW = F + 16
NC, NS = 2, 16
NW = NC * NS
EPW = E // NW
CH = 200
NPS = N // NS
HE = E // 2
HEPW = HE // NW
CHG = 200
NCHG = HEPW // CHG
NCHS = HEPW // CH

BN = 1000
BE = 2000


def _tables_body(h_ref, wcat_ref, cp_ref, ta_ref, tb_ref, s_ref):
    hw = jnp.dot(h_ref[...], wcat_ref[...], preferred_element_type=jnp.float32)
    cp = cp_ref[...]
    ta_ref[...] = jnp.concatenate(
        [hw[:, :F].astype(jnp.bfloat16), cp], axis=1)
    tb_ref[...] = jnp.concatenate(
        [hw[:, F:2 * F].astype(jnp.bfloat16), -cp], axis=1)
    s_ref[...] = hw[:, 2 * F:]


def _make_tables(h, wcat, cp):
    return pl.pallas_call(
        _tables_body,
        grid=(N // BN,),
        in_specs=[
            pl.BlockSpec((BN, F), lambda i: (i, 0)),
            pl.BlockSpec((F, 3 * F), lambda i: (0, 0)),
            pl.BlockSpec((BN, 16), lambda i: (i, 0)),
        ],
        out_specs=[
            pl.BlockSpec((BN, TW), lambda i: (i, 0)),
            pl.BlockSpec((BN, TW), lambda i: (i, 0)),
            pl.BlockSpec((BN, F), lambda i: (i, 0)),
        ],
        out_shape=[
            jax.ShapeDtypeStruct((N, TW), jnp.bfloat16),
            jax.ShapeDtypeStruct((N, TW), jnp.bfloat16),
            jax.ShapeDtypeStruct((N, F), jnp.float32),
        ],
    )(h, wcat, cp)


_sc_mesh = plsc.VectorSubcoreMesh(
    core_axis_name="c", subcore_axis_name="s", num_cores=NC, num_subcores=NS)


@functools.partial(
    pl.kernel,
    out_type=jax.ShapeDtypeStruct((HE, TW), jnp.bfloat16),
    mesh=_sc_mesh,
    compiler_params=pltpu.CompilerParams(use_tc_tiling_on_sc=False),
    scratch_types=[
        pltpu.VMEM((CHG,), jnp.int32),
        pltpu.VMEM((CHG,), jnp.int32),
        pltpu.VMEM((CHG, TW), jnp.bfloat16),
    ],
)
def _sc_gather(ta_hbm, tb_hbm, row_hbm, col_hbm, g_hbm, ir, ic, av):
    wid = lax.axis_index("c") * NS + lax.axis_index("s")

    def chunk(j, carry):
        base = wid * HEPW + j * CHG
        pltpu.sync_copy(row_hbm.at[pl.ds(base, CHG)], ir)
        pltpu.sync_copy(col_hbm.at[pl.ds(base, CHG)], ic)
        pltpu.sync_copy(ta_hbm.at[ir], av)
        pltpu.sync_copy(tb_hbm.at[ic], av, add=True)
        pltpu.sync_copy(av, g_hbm.at[pl.ds(base, CHG)])
        return carry

    lax.fori_loop(0, NCHG, chunk, 0)


def _edge_body(g_ref, ea_ref, em_ref, w1e_ref, w1r_ref, b1_ref,
               w2_ref, b2_ref, ef_ref):
    g = g_ref[...]
    gd = g[:, F:].astype(jnp.float32)
    radial = jnp.sum(gd * gd, axis=1, keepdims=True)
    pre = (g[:, :F].astype(jnp.float32) + radial * w1r_ref[...] + b1_ref[...]
           + jnp.dot(ea_ref[...], w1e_ref[...],
                     preferred_element_type=jnp.float32))
    m = pre * lax.logistic(pre)
    ef = jnp.dot(m, w2_ref[...], preferred_element_type=jnp.float32) + b2_ref[...]
    ef = ef * lax.logistic(ef)
    ef_ref[...] = ef * em_ref[...]


def _edge_mlp(g, ea, em, w1e, w1r, b1r, w2, b2r):
    return pl.pallas_call(
        _edge_body,
        grid=(HE // BE,),
        in_specs=[
            pl.BlockSpec((BE, TW), lambda i: (i, 0)),
            pl.BlockSpec((BE, DE), lambda i: (i, 0)),
            pl.BlockSpec((BE, 1), lambda i: (i, 0)),
            pl.BlockSpec((DE, H), lambda i: (0, 0)),
            pl.BlockSpec((1, H), lambda i: (0, 0)),
            pl.BlockSpec((1, H), lambda i: (0, 0)),
            pl.BlockSpec((H, H), lambda i: (0, 0)),
            pl.BlockSpec((1, H), lambda i: (0, 0)),
        ],
        out_specs=pl.BlockSpec((BE, H), lambda i: (i, 0)),
        out_shape=jax.ShapeDtypeStruct((HE, H), jnp.float32),
    )(g, ea, em, w1e, w1r, b1r, w2, b2r)


@functools.partial(
    pl.kernel,
    out_type=jax.ShapeDtypeStruct((NC, N, H), jnp.float32),
    mesh=_sc_mesh,
    compiler_params=pltpu.CompilerParams(use_tc_tiling_on_sc=False),
    scratch_types=[
        pltpu.VMEM_SHARED((N, H), jnp.float32),
        pltpu.VMEM((CH,), jnp.int32),
        pltpu.VMEM((CH, H), jnp.float32),
    ],
)
def _sc_scatter(ef_hbm, row_hbm, zeros_hbm, agg_hbm, acc, iv, ev):
    cid = lax.axis_index("c")
    sid = lax.axis_index("s")
    wid = cid * NS + sid

    pltpu.sync_copy(zeros_hbm.at[pl.ds(sid * NPS, NPS)],
                    acc.at[pl.ds(sid * NPS, NPS)])
    plsc.subcore_barrier()

    def chunk(j, carry):
        base = wid * HEPW + j * CH
        pltpu.sync_copy(row_hbm.at[pl.ds(base, CH)], iv)
        pltpu.sync_copy(ef_hbm.at[pl.ds(base, CH)], ev)
        pltpu.sync_copy(ev, acc.at[iv], add=True)
        return carry

    lax.fori_loop(0, NCHS, chunk, 0)
    plsc.subcore_barrier()
    pltpu.sync_copy(acc.at[pl.ds(sid * NPS, NPS)],
                    agg_hbm.at[cid, pl.ds(sid * NPS, NPS)])


def _node_body(s_ref, a0_ref, a1_ref, a2_ref, a3_ref,
               w3a_ref, b3_ref, w4_ref, b4_ref, o_ref):
    agg = (a0_ref[...] + a1_ref[...]) + (a2_ref[...] + a3_ref[...])
    pre = (s_ref[...] + b3_ref[...]
           + jnp.dot(agg, w3a_ref[...], preferred_element_type=jnp.float32))
    t = pre * lax.logistic(pre)
    o_ref[...] = jnp.dot(t, w4_ref[...],
                         preferred_element_type=jnp.float32) + b4_ref[...]


def _node_mlp(s, a0, a1, a2, a3, w3a, b3r, w4, b4r):
    return pl.pallas_call(
        _node_body,
        grid=(N // BN,),
        in_specs=[
            pl.BlockSpec((BN, H), lambda i: (i, 0)),
            pl.BlockSpec((BN, H), lambda i: (i, 0)),
            pl.BlockSpec((BN, H), lambda i: (i, 0)),
            pl.BlockSpec((BN, H), lambda i: (i, 0)),
            pl.BlockSpec((BN, H), lambda i: (i, 0)),
            pl.BlockSpec((H, H), lambda i: (0, 0)),
            pl.BlockSpec((1, H), lambda i: (0, 0)),
            pl.BlockSpec((H, F), lambda i: (0, 0)),
            pl.BlockSpec((1, F), lambda i: (0, 0)),
        ],
        out_specs=pl.BlockSpec((BN, F), lambda i: (i, 0)),
        out_shape=jax.ShapeDtypeStruct((N, F), jnp.float32),
    )(s, a0, a1, a2, a3, w3a, b3r, w4, b4r)


def kernel(h, edge_index, coord, edge_mask, edge_attr,
           W1, b1, W2, b2, W3, b3, W4, b4):
    row = edge_index[0]
    col = edge_index[1]
    cp = jnp.pad(coord, ((0, 0), (0, 13))).astype(jnp.bfloat16)
    wcat = jnp.concatenate([W1[:F], W1[F:2 * F], W3[:F]], axis=1)

    ta, tb, s = _make_tables(h, wcat, cp)
    w1e = W1[2 * F + 1:]
    w1r = W1[2 * F:2 * F + 1]
    b1r = b1.reshape(1, H)
    b2r = b2.reshape(1, H)
    zer = jnp.zeros((N, H), jnp.float32)

    g0 = _sc_gather(ta, tb, row[:HE], col[:HE])
    g1 = _sc_gather(ta, tb, row[HE:], col[HE:])
    ef0 = _edge_mlp(g0, edge_attr[:HE], edge_mask[:HE], w1e, w1r, b1r, W2, b2r)
    ef1 = _edge_mlp(g1, edge_attr[HE:], edge_mask[HE:], w1e, w1r, b1r, W2, b2r)
    agg0 = _sc_scatter(ef0, row[:HE], zer)
    agg1 = _sc_scatter(ef1, row[HE:], zer)
    h_out = _node_mlp(s, agg0[0], agg0[1], agg1[0], agg1[1],
                      W3[F:], b3.reshape(1, H), W4, b4.reshape(1, F))
    return (h_out, edge_attr)

# --- scband reference (transcript-rebuilt; emitter-appended) ---
"""Pipeline reference for scband-e-gcl-12799002542248 (READ-ONLY COPY).

The authoritative reference and input builder live on the scoring server;
editing this copy changes nothing except your own understanding.
"""

import jax, jax.numpy as jnp
import numpy as np

N, E, F, H, DE = 10000, 320000, 128, 128, 16

def setup_inputs(seed: int = 0) -> dict:
    key = jax.random.key(seed)
    ks = jax.random.split(key, 16)
    h = jax.random.normal(ks[0], (N, F), dtype=jnp.float32)
    edge_index = jax.random.randint(ks[1], (2, E), 0, N, dtype=jnp.int32)
    coord = jax.random.normal(ks[2], (N, 3), dtype=jnp.float32)
    edge_mask = jax.random.uniform(ks[3], (E, 1), dtype=jnp.float32)
    edge_attr = jax.random.normal(ks[4], (E, DE), dtype=jnp.float32)
    # edge_mlp: Linear(2F+1+DE -> H), SiLU, Linear(H -> H), SiLU
    W1 = jax.random.normal(ks[5], (2 * F + 1 + DE, H), dtype=jnp.float32) * 0.05
    b1 = jnp.zeros((H,), dtype=jnp.float32)
    W2 = jax.random.normal(ks[6], (H, H), dtype=jnp.float32) * 0.05
    b2 = jnp.zeros((H,), dtype=jnp.float32)
    # node_mlp: Linear(H + F -> H), SiLU, Linear(H -> F)
    W3 = jax.random.normal(ks[7], (H + F, H), dtype=jnp.float32) * 0.05
    b3 = jnp.zeros((H,), dtype=jnp.float32)
    W4 = jax.random.normal(ks[8], (H, F), dtype=jnp.float32) * 0.05
    b4 = jnp.zeros((F,), dtype=jnp.float32)
    return {"h": h, "edge_index": edge_index, "coord": coord, "edge_mask": edge_mask,
            "edge_attr": edge_attr, "W1": W1, "b1": b1, "W2": W2, "b2": b2,
            "W3": W3, "b3": b3, "W4": W4, "b4": b4}

def reference(h, edge_index, coord, edge_mask, edge_attr, W1, b1, W2, b2, W3, b3, W4, b4):
    row = edge_index[0]
    col = edge_index[1]
    # coord2radial (norm_diff=False)
    coord_diff = coord[row] - coord[col]
    radial = jnp.sum(coord_diff ** 2, axis=1, keepdims=True)
    # edge_model (attention=False)
    e_in = jnp.concatenate([h[row], h[col], radial, edge_attr], axis=1)
    m = jax.nn.silu(e_in @ W1 + b1)
    edge_feat = jax.nn.silu(m @ W2 + b2)
    edge_feat = edge_feat * edge_mask
    # node_model: unsorted_segment_sum over row (dst) then node MLP
    agg = jax.ops.segment_sum(edge_feat, row, num_segments=h.shape[0])
    n_in = jnp.concatenate([h, agg], axis=1)
    h_out = jax.nn.silu(n_in @ W3 + b3) @ W4 + b4
    return (h_out, edge_attr)

if __name__ == "__main__":
    import jax
    _d = setup_inputs()
    print(jax.jit(kernel)(*tuple(_d.values())))

</pallas_src>

<mosaic_0001>
#map = affine_map<(d0, d1) -> (0, 0)>
#map1 = affine_map<(d0, d1) -> (0)>
module attributes {stable_mosaic.version = 14 : i64} {
  func.func @_sc_gather(%arg0: i32, %arg1: i32, %arg2: memref<10000x144xbf16, #tpu.memory_space<hbm>>, %arg3: memref<10000x144xbf16, #tpu.memory_space<hbm>>, %arg4: memref<160000xi32, #tpu.memory_space<hbm>>, %arg5: memref<160000xi32, #tpu.memory_space<hbm>>, %arg6: memref<160000x144xbf16, #tpu.memory_space<hbm>>, %arg7: memref<200xi32, #tpu.memory_space<vmem>>, %arg8: memref<200xi32, #tpu.memory_space<vmem>>, %arg9: memref<200x144xbf16, #tpu.memory_space<vmem>>) attributes {dimension_semantics = [#tpu.dimension_semantics<core_parallel>, #tpu.dimension_semantics<subcore_parallel>], iteration_bounds = array<i64: 2, 16>, scalar_prefetch = 0 : i64, scratch_operands = 3 : i64, tpu.core_type = #tpu.core_type<sc_vector_subcore>, window_params = [{transform_indices = #map}, {transform_indices = #map}, {transform_indices = #map1}, {transform_indices = #map1}, {transform_indices = #map}]} {
    %mul3A = arith.constant 16 : i32
    %mul3A_0 = arith.muli %arg0, %mul3A : i32
    %add3A = arith.addi %mul3A_0, %arg1 : i32
    %scan3A = arith.constant 0 : i32
    %scan3A_1 = arith.constant 0 : i32
    %scan3A_2 = arith.constant 25 : i32
    %scan3A_3 = arith.addi %scan3A_1, %scan3A_2 : i32
    %scan3A_4 = arith.constant 1 : i32
    scf.for %scan3A_6 = %scan3A_1 to %scan3A_3 step %scan3A_4  : i32 {
      %mul3A_7 = arith.constant 5000 : i32
      %mul3A_8 = arith.muli %add3A, %mul3A_7 : i32
      %mul3A_9 = arith.constant 200 : i32
      %mul3A_10 = arith.muli %scan3A_6, %mul3A_9 : i32
      %add3A_11 = arith.addi %mul3A_8, %mul3A_10 : i32
      "tpu.region"() ({
        %run_scoped3A = tpu.sem_alloc : memref<!tpu.dma_semaphore, #tpu.memory_space<semaphore_mem>>
        %dma_start3A = tpu.memref_slice %arg4[%add3A_11] : memref<160000xi32, #tpu.memory_space<hbm>> -> memref<200xi32, #tpu.memory_space<hbm>>
        %dma_start3A_12 = tpu.memref_slice %arg4[%add3A_11] : memref<160000xi32, #tpu.memory_space<hbm>> -> memref<200xi32, #tpu.memory_space<hbm>>
        tpu.enqueue_dma source(%dma_start3A_12 : memref<200xi32, #tpu.memory_space<hbm>>) target(%arg7 : memref<200xi32, #tpu.memory_space<vmem>>) target_semaphore(%run_scoped3A : memref<!tpu.dma_semaphore, #tpu.memory_space<semaphore_mem>>)
        %dma_wait3A = tpu.memref_slice %arg4[%add3A_11] : memref<160000xi32, #tpu.memory_space<hbm>> -> memref<200xi32, #tpu.memory_space<hbm>>
        %dma_wait3A_13 = tpu.memref_slice %arg4[%add3A_11] : memref<160000xi32, #tpu.memory_space<hbm>> -> memref<200xi32, #tpu.memory_space<hbm>>
        tpu.wait_dma2 semaphore(%run_scoped3A : memref<!tpu.dma_semaphore, #tpu.memory_space<semaphore_mem>>) src(%dma_wait3A_13 : memref<200xi32, #tpu.memory_space<hbm>>) dst(%arg7 : memref<200xi32, #tpu.memory_space<vmem>>)
        tpu.yield
      }) : () -> ()
      "tpu.region"() ({
        %run_scoped3A = tpu.sem_alloc : memref<!tpu.dma_semaphore, #tpu.memory_space<semaphore_mem>>
        %dma_start3A = tpu.memref_slice %arg5[%add3A_11] : memref<160000xi32, #tpu.memory_space<hbm>> -> memref<200xi32, #tpu.memory_space<hbm>>
        %dma_start3A_12 = tpu.memref_slice %arg5[%add3A_11] : memref<160000xi32, #tpu.memory_space<hbm>> -> memref<200xi32, #tpu.memory_space<hbm>>
        tpu.enqueue_dma source(%dma_start3A_12 : memref<200xi32, #tpu.memory_space<hbm>>) target(%arg8 : memref<200xi32, #tpu.memory_space<vmem>>) target_semaphore(%run_scoped3A : memref<!tpu.dma_semaphore, #tpu.memory_space<semaphore_mem>>)
        %dma_wait3A = tpu.memref_slice %arg5[%add3A_11] : memref<160000xi32, #tpu.memory_space<hbm>> -> memref<200xi32, #tpu.memory_space<hbm>>
        %dma_wait3A_13 = tpu.memref_slice %arg5[%add3A_11] : memref<160000xi32, #tpu.memory_space<hbm>> -> memref<200xi32, #tpu.memory_space<hbm>>
        tpu.wait_dma2 semaphore(%run_scoped3A : memref<!tpu.dma_semaphore, #tpu.memory_space<semaphore_mem>>) src(%dma_wait3A_13 : memref<200xi32, #tpu.memory_space<hbm>>) dst(%arg8 : memref<200xi32, #tpu.memory_space<vmem>>)
        tpu.yield
      }) : () -> ()
      "tpu.region"() ({
        %run_scoped3A = tpu.sem_alloc : memref<!tpu.dma_semaphore, #tpu.memory_space<semaphore_mem>>
        %dma_start3A = arith.constant 0 : i32
        %dma_start3A_12 = arith.constant 0 : i32
        %dma_start3A_13 = tpu.memref_slice %arg2[%dma_start3A, %dma_start3A_12] : memref<10000x144xbf16, #tpu.memory_space<hbm>> -> memref<10000x144xbf16, #tpu.memory_space<hbm>>
        tpu.enqueue_indirect_dma source(%dma_start3A_13 : memref<10000x144xbf16, #tpu.memory_space<hbm>>) target(%arg9 : memref<200x144xbf16, #tpu.memory_space<vmem>>) offsets(%arg7 : memref<200xi32, #tpu.memory_space<vmem>>) semaphore(%run_scoped3A : memref<!tpu.dma_semaphore, #tpu.memory_space<semaphore_mem>>)
        %dma_wait3A = arith.constant 0 : i32
        %dma_wait3A_14 = arith.constant 0 : i32
        %dma_wait3A_15 = tpu.memref_slice %arg2[%dma_wait3A, %dma_wait3A_14] : memref<10000x144xbf16, #tpu.memory_space<hbm>> -> memref<10000x144xbf16, #tpu.memory_space<hbm>>
        tpu.wait_indirect_dma semaphore(%run_scoped3A : memref<!tpu.dma_semaphore, #tpu.memory_space<semaphore_mem>>) src(%dma_wait3A_15 : memref<10000x144xbf16, #tpu.memory_space<hbm>>) dst(%arg9 : memref<200x144xbf16, #tpu.memory_space<vmem>>)
        tpu.yield
      }) : () -> ()
      "tpu.region"() ({
        %run_scoped3A = tpu.sem_alloc : memref<!tpu.dma_semaphore, #tpu.memory_space<semaphore_mem>>
        %dma_start3A = arith.constant 0 : i32
        %dma_start3A_12 = arith.constant 0 : i32
        %dma_start3A_13 = tpu.memref_slice %arg3[%dma_start3A, %dma_start3A_12] : memref<10000x144xbf16, #tpu.memory_space<hbm>> -> memref<10000x144xbf16, #tpu.memory_space<hbm>>
        tpu.enqueue_indirect_dma source(%dma_start3A_13 : memref<10000x144xbf16, #tpu.memory_space<hbm>>) target(%arg9 : memref<200x144xbf16, #tpu.memory_space<vmem>>) offsets(%arg8 : memref<200xi32, #tpu.memory_space<vmem>>) semaphore(%run_scoped3A : memref<!tpu.dma_semaphore, #tpu.memory_space<semaphore_mem>>) {add = true}
        %dma_wait3A = arith.constant 0 : i32
        %dma_wait3A_14 = arith.constant 0 : i32
        %dma_wait3A_15 = tpu.memref_slice %arg3[%dma_wait3A, %dma_wait3A_14] : memref<10000x144xbf16, #tpu.memory_space<hbm>> -> memref<10000x144xbf16, #tpu.memory_space<hbm>>
        tpu.wait_indirect_dma semaphore(%run_scoped3A : memref<!tpu.dma_semaphore, #tpu.memory_space<semaphore_mem>>) src(%dma_wait3A_15 : memref<10000x144xbf16, #tpu.memory_space<hbm>>) dst(%arg9 : memref<200x144xbf16, #tpu.memory_space<vmem>>)
        tpu.yield
      }) : () -> ()
      "tpu.region"() ({
        %run_scoped3A = tpu.sem_alloc : memref<!tpu.dma_semaphore, #tpu.memory_space<semaphore_mem>>
        %dma_start3A = arith.constant 0 : i32
        %dma_start3A_12 = tpu.memref_slice %arg6[%add3A_11, %dma_start3A] : memref<160000x144xbf16, #tpu.memory_space<hbm>> -> memref<200x144xbf16, #tpu.memory_space<hbm>>
        %dma_start3A_13 = arith.constant 0 : i32
        %dma_start3A_14 = tpu.memref_slice %arg6[%add3A_11, %dma_start3A_13] : memref<160000x144xbf16, #tpu.memory_space<hbm>> -> memref<200x144xbf16, #tpu.memory_space<hbm>>
        tpu.enqueue_dma source(%arg9 : memref<200x144xbf16, #tpu.memory_space<vmem>>) target(%dma_start3A_14 : memref<200x144xbf16, #tpu.memory_space<hbm>>) target_semaphore(%run_scoped3A : memref<!tpu.dma_semaphore, #tpu.memory_space<semaphore_mem>>)
        %dma_wait3A = arith.constant 0 : i32
        %dma_wait3A_15 = tpu.memref_slice %arg6[%add3A_11, %dma_wait3A] : memref<160000x144xbf16, #tpu.memory_space<hbm>> -> memref<200x144xbf16, #tpu.memory_space<hbm>>
        %dma_wait3A_16 = arith.constant 0 : i32
        %dma_wait3A_17 = tpu.memref_slice %arg6[%add3A_11, %dma_wait3A_16] : memref<160000x144xbf16, #tpu.memory_space<hbm>> -> memref<200x144xbf16, #tpu.memory_space<hbm>>
        tpu.wait_dma2 semaphore(%run_scoped3A : memref<!tpu.dma_semaphore, #tpu.memory_space<semaphore_mem>>) src(%arg9 : memref<200x144xbf16, #tpu.memory_space<vmem>>) dst(%dma_wait3A_17 : memref<200x144xbf16, #tpu.memory_space<hbm>>)
        tpu.yield
      }) : () -> ()
    }
    %scan3A_5 = arith.constant 25 : i32
    return
  }
}

#map = affine_map<(d0, d1) -> (0, 0)>
#map1 = affine_map<(d0, d1) -> (0)>
#map2 = affine_map<(d0, d1) -> (0, 0, 0)>
module attributes {stable_mosaic.version = 14 : i64} {
  func.func @_sc_scatter(%arg0: i32, %arg1: i32, %arg2: memref<160000x128xf32, #tpu.memory_space<hbm>>, %arg3: memref<160000xi32, #tpu.memory_space<hbm>>, %arg4: memref<10000x128xf32, #tpu.memory_space<hbm>>, %arg5: memref<2x10000x128xf32, #tpu.memory_space<hbm>>, %arg6: memref<10000x128xf32, #tpu.memory_space<vmem_shared>>, %arg7: memref<200xi32, #tpu.memory_space<vmem>>, %arg8: memref<200x128xf32, #tpu.memory_space<vmem>>) attributes {dimension_semantics = [#tpu.dimension_semantics<core_parallel>, #tpu.dimension_semantics<subcore_parallel>], iteration_bounds = array<i64: 2, 16>, scalar_prefetch = 0 : i64, scratch_operands = 3 : i64, tpu.core_type = #tpu.core_type<sc_vector_subcore>, window_params = [{transform_indices = #map}, {transform_indices = #map1}, {transform_indices = #map}, {transform_indices = #map2}]} {
    %mul3A = arith.constant 16 : i32
    %mul3A_0 = arith.muli %arg0, %mul3A : i32
    %add3A = arith.addi %mul3A_0, %arg1 : i32
    %mul3A_1 = arith.constant 625 : i32
    %mul3A_2 = arith.muli %arg1, %mul3A_1 : i32
    %mul3A_3 = arith.constant 625 : i32
    %mul3A_4 = arith.muli %arg1, %mul3A_3 : i32
    "tpu.region"() ({
      %run_scoped3A = tpu.sem_alloc : memref<!tpu.dma_semaphore, #tpu.memory_space<semaphore_mem>>
      %dma_start3A = arith.constant 0 : i32
      %dma_start3A_15 = tpu.memref_slice %arg6[%mul3A_4, %dma_start3A] : memref<10000x128xf32, #tpu.memory_space<vmem_shared>> -> memref<625x128xf32, #tpu.memory_space<vmem_shared>>
      %dma_start3A_16 = arith.constant 0 : i32
      %dma_start3A_17 = tpu.memref_slice %arg4[%mul3A_2, %dma_start3A_16] : memref<10000x128xf32, #tpu.memory_space<hbm>> -> memref<625x128xf32, #tpu.memory_space<hbm>>
      tpu.enqueue_dma source(%dma_start3A_17 : memref<625x128xf32, #tpu.memory_space<hbm>>) target(%dma_start3A_15 : memref<625x128xf32, #tpu.memory_space<vmem_shared>>) target_semaphore(%run_scoped3A : memref<!tpu.dma_semaphore, #tpu.memory_space<semaphore_mem>>)
      %dma_wait3A = arith.constant 0 : i32
      %dma_wait3A_18 = tpu.memref_slice %arg6[%mul3A_4, %dma_wait3A] : memref<10000x128xf32, #tpu.memory_space<vmem_shared>> -> memref<625x128xf32, #tpu.memory_space<vmem_shared>>
      %dma_wait3A_19 = arith.constant 0 : i32
      %dma_wait3A_20 = tpu.memref_slice %arg4[%mul3A_2, %dma_wait3A_19] : memref<10000x128xf32, #tpu.memory_space<hbm>> -> memref<625x128xf32, #tpu.memory_space<hbm>>
      tpu.wait_dma2 semaphore(%run_scoped3A : memref<!tpu.dma_semaphore, #tpu.memory_space<semaphore_mem>>) src(%dma_wait3A_20 : memref<625x128xf32, #tpu.memory_space<hbm>>) dst(%dma_wait3A_18 : memref<625x128xf32, #tpu.memory_space<vmem_shared>>)
      tpu.yield
    }) : () -> ()
    %barrier3A = arith.constant 0 : index
    tpu.barrier barrier_id(%barrier3A)
    %scan3A = arith.constant 0 : i32
    %scan3A_5 = arith.constant 0 : i32
    %scan3A_6 = arith.constant 25 : i32
    %scan3A_7 = arith.addi %scan3A_5, %scan3A_6 : i32
    %scan3A_8 = arith.constant 1 : i32
    scf.for %scan3A_15 = %scan3A_5 to %scan3A_7 step %scan3A_8  : i32 {
      %mul3A_16 = arith.constant 5000 : i32
      %mul3A_17 = arith.muli %add3A, %mul3A_16 : i32
      %mul3A_18 = arith.constant 200 : i32
      %mul3A_19 = arith.muli %scan3A_15, %mul3A_18 : i32
      %add3A_20 = arith.addi %mul3A_17, %mul3A_19 : i32
      "tpu.region"() ({
        %run_scoped3A = tpu.sem_alloc : memref<!tpu.dma_semaphore, #tpu.memory_space<semaphore_mem>>
        %dma_start3A = tpu.memref_slice %arg3[%add3A_20] : memref<160000xi32, #tpu.memory_space<hbm>> -> memref<200xi32, #tpu.memory_space<hbm>>
        %dma_start3A_21 = tpu.memref_slice %arg3[%add3A_20] : memref<160000xi32, #tpu.memory_space<hbm>> -> memref<200xi32, #tpu.memory_space<hbm>>
        tpu.enqueue_dma source(%dma_start3A_21 : memref<200xi32, #tpu.memory_space<hbm>>) target(%arg7 : memref<200xi32, #tpu.memory_space<vmem>>) target_semaphore(%run_scoped3A : memref<!tpu.dma_semaphore, #tpu.memory_space<semaphore_mem>>)
        %dma_wait3A = tpu.memref_slice %arg3[%add3A_20] : memref<160000xi32, #tpu.memory_space<hbm>> -> memref<200xi32, #tpu.memory_space<hbm>>
        %dma_wait3A_22 = tpu.memref_slice %arg3[%add3A_20] : memref<160000xi32, #tpu.memory_space<hbm>> -> memref<200xi32, #tpu.memory_space<hbm>>
        tpu.wait_dma2 semaphore(%run_scoped3A : memref<!tpu.dma_semaphore, #tpu.memory_space<semaphore_mem>>) src(%dma_wait3A_22 : memref<200xi32, #tpu.memory_space<hbm>>) dst(%arg7 : memref<200xi32, #tpu.memory_space<vmem>>)
        tpu.yield
      }) : () -> ()
      "tpu.region"() ({
        %run_scoped3A = tpu.sem_alloc : memref<!tpu.dma_semaphore, #tpu.memory_space<semaphore_mem>>
        %dma_start3A = arith.constant 0 : i32
        %dma_start3A_21 = tpu.memref_slice %arg2[%add3A_20, %dma_start3A] : memref<160000x128xf32, #tpu.memory_space<hbm>> -> memref<200x128xf32, #tpu.memory_space<hbm>>
        %dma_start3A_22 = arith.constant 0 : i32
        %dma_start3A_23 = tpu.memref_slice %arg2[%add3A_20, %dma_start3A_22] : memref<160000x128xf32, #tpu.memory_space<hbm>> -> memref<200x128xf32, #tpu.memory_space<hbm>>
        tpu.enqueue_dma source(%dma_start3A_23 : memref<200x128xf32, #tpu.memory_space<hbm>>) target(%arg8 : memref<200x128xf32, #tpu.memory_space<vmem>>) target_semaphore(%run_scoped3A : memref<!tpu.dma_semaphore, #tpu.memory_space<semaphore_mem>>)
        %dma_wait3A = arith.constant 0 : i32
        %dma_wait3A_24 = tpu.memref_slice %arg2[%add3A_20, %dma_wait3A] : memref<160000x128xf32, #tpu.memory_space<hbm>> -> memref<200x128xf32, #tpu.memory_space<hbm>>
        %dma_wait3A_25 = arith.constant 0 : i32
        %dma_wait3A_26 = tpu.memref_slice %arg2[%add3A_20, %dma_wait3A_25] : memref<160000x128xf32, #tpu.memory_space<hbm>> -> memref<200x128xf32, #tpu.memory_space<hbm>>
        tpu.wait_dma2 semaphore(%run_scoped3A : memref<!tpu.dma_semaphore, #tpu.memory_space<semaphore_mem>>) src(%dma_wait3A_26 : memref<200x128xf32, #tpu.memory_space<hbm>>) dst(%arg8 : memref<200x128xf32, #tpu.memory_space<vmem>>)
        tpu.yield
      }) : () -> ()
      "tpu.region"() ({
        %run_scoped3A = tpu.sem_alloc : memref<!tpu.dma_semaphore, #tpu.memory_space<semaphore_mem>>
        %dma_start3A = arith.constant 0 : i32
        %dma_start3A_21 = arith.constant 0 : i32
        %dma_start3A_22 = tpu.memref_slice %arg6[%dma_start3A, %dma_start3A_21] : memref<10000x128xf32, #tpu.memory_space<vmem_shared>> -> memref<10000x128xf32, #tpu.memory_space<vmem_shared>>
        tpu.enqueue_indirect_dma source(%arg8 : memref<200x128xf32, #tpu.memory_space<vmem>>) target(%dma_start3A_22 : memref<10000x128xf32, #tpu.memory_space<vmem_shared>>) offsets(%arg7 : memref<200xi32, #tpu.memory_space<vmem>>) semaphore(%run_scoped3A : memref<!tpu.dma_semaphore, #tpu.memory_space<semaphore_mem>>) {add = true}
        %dma_wait3A = arith.constant 0 : i32
        %dma_wait3A_23 = arith.constant 0 : i32
        %dma_wait3A_24 = tpu.memref_slice %arg6[%dma_wait3A, %dma_wait3A_23] : memref<10000x128xf32, #tpu.memory_space<vmem_shared>> -> memref<10000x128xf32, #tpu.memory_space<vmem_shared>>
        tpu.wait_indirect_dma semaphore(%run_scoped3A : memref<!tpu.dma_semaphore, #tpu.memory_space<semaphore_mem>>) src(%arg8 : memref<200x128xf32, #tpu.memory_space<vmem>>) dst(%dma_wait3A_24 : memref<10000x128xf32, #tpu.memory_space<vmem_shared>>)
        tpu.yield
      }) : () -> ()
    }
    %scan3A_9 = arith.constant 25 : i32
    %barrier3A_10 = arith.constant 0 : index
    tpu.barrier barrier_id(%barrier3A_10)
    %mul3A_11 = arith.constant 625 : i32
    %mul3A_12 = arith.muli %arg1, %mul3A_11 : i32
    %mul3A_13 = arith.constant 625 : i32
    %mul3A_14 = arith.muli %arg1, %mul3A_13 : i32
    "tpu.region"() ({
      %run_scoped3A = tpu.sem_alloc : memref<!tpu.dma_semaphore, #tpu.memory_space<semaphore_mem>>
      %dma_start3A = arith.constant 0 : i32
      %dma_start3A_15 = tpu.memref_slice %arg5[%arg0, %mul3A_14, %dma_start3A] : memref<2x10000x128xf32, #tpu.memory_space<hbm>> -> memref<1x625x128xf32, #tpu.memory_space<hbm>>
      %dma_start3A_16 = tpu.memref_squeeze %dma_start3A_15 : memref<1x625x128xf32, #tpu.memory_space<hbm>> -> memref<625x128xf32, #tpu.memory_space<hbm>>
      %dma_start3A_17 = arith.constant 0 : i32
      %dma_start3A_18 = tpu.memref_slice %arg6[%mul3A_12, %dma_start3A_17] : memref<10000x128xf32, #tpu.memory_space<vmem_shared>> -> memref<625x128xf32, #tpu.memory_space<vmem_shared>>
      tpu.enqueue_dma source(%dma_start3A_18 : memref<625x128xf32, #tpu.memory_space<vmem_shared>>) target(%dma_start3A_16 : memref<625x128xf32, #tpu.memory_space<hbm>>) target_semaphore(%run_scoped3A : memref<!tpu.dma_semaphore, #tpu.memory_space<semaphore_mem>>)
      %dma_wait3A = arith.constant 0 : i32
      %dma_wait3A_19 = tpu.memref_slice %arg5[%arg0, %mul3A_14, %dma_wait3A] : memref<2x10000x128xf32, #tpu.memory_space<hbm>> -> memref<1x625x128xf32, #tpu.memory_space<hbm>>
      %dma_wait3A_20 = tpu.memref_squeeze %dma_wait3A_19 : memref<1x625x128xf32, #tpu.memory_space<hbm>> -> memref<625x128xf32, #tpu.memory_space<hbm>>
      %dma_wait3A_21 = arith.constant 0 : i32
      %dma_wait3A_22 = tpu.memref_slice %arg6[%mul3A_12, %dma_wait3A_21] : memref<10000x128xf32, #tpu.memory_space<vmem_shared>> -> memref<625x128xf32, #tpu.memory_space<vmem_shared>>
      tpu.wait_dma2 semaphore(%run_scoped3A : memref<!tpu.dma_semaphore, #tpu.memory_space<semaphore_mem>>) src(%dma_wait3A_22 : memref<625x128xf32, #tpu.memory_space<vmem_shared>>) dst(%dma_wait3A_20 : memref<625x128xf32, #tpu.memory_space<hbm>>)
      tpu.yield
    }) : () -> ()
    return
  }
}

#map = affine_map<(d0, d1) -> (0, 0)>
#map1 = affine_map<(d0, d1) -> (0)>
#map2 = affine_map<(d0, d1) -> (0, 0, 0)>
module attributes {stable_mosaic.version = 14 : i64} {
  func.func @_sc_scatter(%arg0: i32, %arg1: i32, %arg2: memref<160000x128xf32, #tpu.memory_space<hbm>>, %arg3: memref<160000xi32, #tpu.memory_space<hbm>>, %arg4: memref<10000x128xf32, #tpu.memory_space<hbm>>, %arg5: memref<2x10000x128xf32, #tpu.memory_space<hbm>>, %arg6: memref<10000x128xf32, #tpu.memory_space<vmem_shared>>, %arg7: memref<200xi32, #tpu.memory_space<vmem>>, %arg8: memref<200x128xf32, #tpu.memory_space<vmem>>) attributes {dimension_semantics = [#tpu.dimension_semantics<core_parallel>, #tpu.dimension_semantics<subcore_parallel>], iteration_bounds = array<i64: 2, 16>, scalar_prefetch = 0 : i64, scratch_operands = 3 : i64, tpu.core_type = #tpu.core_type<sc_vector_subcore>, window_params = [{transform_indices = #map}, {transform_indices = #map1}, {transform_indices = #map}, {transform_indices = #map2}]} {
    %mul3A = arith.constant 16 : i32
    %mul3A_0 = arith.muli %arg0, %mul3A : i32
    %add3A = arith.addi %mul3A_0, %arg1 : i32
    %mul3A_1 = arith.constant 625 : i32
    %mul3A_2 = arith.muli %arg1, %mul3A_1 : i32
    %mul3A_3 = arith.constant 625 : i32
    %mul3A_4 = arith.muli %arg1, %mul3A_3 : i32
    "tpu.region"() ({
      %run_scoped3A = tpu.sem_alloc : memref<!tpu.dma_semaphore, #tpu.memory_space<semaphore_mem>>
      %dma_start3A = arith.constant 0 : i32
      %dma_start3A_15 = tpu.memref_slice %arg6[%mul3A_4, %dma_start3A] : memref<10000x128xf32, #tpu.memory_space<vmem_shared>> -> memref<625x128xf32, #tpu.memory_space<vmem_shared>>
      %dma_start3A_16 = arith.constant 0 : i32
      %dma_start3A_17 = tpu.memref_slice %arg4[%mul3A_2, %dma_start3A_16] : memref<10000x128xf32, #tpu.memory_space<hbm>> -> memref<625x128xf32, #tpu.memory_space<hbm>>
      tpu.enqueue_dma source(%dma_start3A_17 : memref<625x128xf32, #tpu.memory_space<hbm>>) target(%dma_start3A_15 : memref<625x128xf32, #tpu.memory_space<vmem_shared>>) target_semaphore(%run_scoped3A : memref<!tpu.dma_semaphore, #tpu.memory_space<semaphore_mem>>)
      %dma_wait3A = arith.constant 0 : i32
      %dma_wait3A_18 = tpu.memref_slice %arg6[%mul3A_4, %dma_wait3A] : memref<10000x128xf32, #tpu.memory_space<vmem_shared>> -> memref<625x128xf32, #tpu.memory_space<vmem_shared>>
      %dma_wait3A_19 = arith.constant 0 : i32
      %dma_wait3A_20 = tpu.memref_slice %arg4[%mul3A_2, %dma_wait3A_19] : memref<10000x128xf32, #tpu.memory_space<hbm>> -> memref<625x128xf32, #tpu.memory_space<hbm>>
      tpu.wait_dma2 semaphore(%run_scoped3A : memref<!tpu.dma_semaphore, #tpu.memory_space<semaphore_mem>>) src(%dma_wait3A_20 : memref<625x128xf32, #tpu.memory_space<hbm>>) dst(%dma_wait3A_18 : memref<625x128xf32, #tpu.memory_space<vmem_shared>>)
      tpu.yield
    }) : () -> ()
    %barrier3A = arith.constant 0 : index
    tpu.barrier barrier_id(%barrier3A)
    %scan3A = arith.constant 0 : i32
    %scan3A_5 = arith.constant 0 : i32
    %scan3A_6 = arith.constant 25 : i32
    %scan3A_7 = arith.addi %scan3A_5, %scan3A_6 : i32
    %scan3A_8 = arith.constant 1 : i32
    scf.for %scan3A_15 = %scan3A_5 to %scan3A_7 step %scan3A_8  : i32 {
      %mul3A_16 = arith.constant 5000 : i32
      %mul3A_17 = arith.muli %add3A, %mul3A_16 : i32
      %mul3A_18 = arith.constant 200 : i32
      %mul3A_19 = arith.muli %scan3A_15, %mul3A_18 : i32
      %add3A_20 = arith.addi %mul3A_17, %mul3A_19 : i32
      "tpu.region"() ({
        %run_scoped3A = tpu.sem_alloc : memref<!tpu.dma_semaphore, #tpu.memory_space<semaphore_mem>>
        %dma_start3A = tpu.memref_slice %arg3[%add3A_20] : memref<160000xi32, #tpu.memory_space<hbm>> -> memref<200xi32, #tpu.memory_space<hbm>>
        %dma_start3A_21 = tpu.memref_slice %arg3[%add3A_20] : memref<160000xi32, #tpu.memory_space<hbm>> -> memref<200xi32, #tpu.memory_space<hbm>>
        tpu.enqueue_dma source(%dma_start3A_21 : memref<200xi32, #tpu.memory_space<hbm>>) target(%arg7 : memref<200xi32, #tpu.memory_space<vmem>>) target_semaphore(%run_scoped3A : memref<!tpu.dma_semaphore, #tpu.memory_space<semaphore_mem>>)
        %dma_wait3A = tpu.memref_slice %arg3[%add3A_20] : memref<160000xi32, #tpu.memory_space<hbm>> -> memref<200xi32, #tpu.memory_space<hbm>>
        %dma_wait3A_22 = tpu.memref_slice %arg3[%add3A_20] : memref<160000xi32, #tpu.memory_space<hbm>> -> memref<200xi32, #tpu.memory_space<hbm>>
        tpu.wait_dma2 semaphore(%run_scoped3A : memref<!tpu.dma_semaphore, #tpu.memory_space<semaphore_mem>>) src(%dma_wait3A_22 : memref<200xi32, #tpu.memory_space<hbm>>) dst(%arg7 : memref<200xi32, #tpu.memory_space<vmem>>)
        tpu.yield
      }) : () -> ()
      "tpu.region"() ({
        %run_scoped3A = tpu.sem_alloc : memref<!tpu.dma_semaphore, #tpu.memory_space<semaphore_mem>>
        %dma_start3A = arith.constant 0 : i32
        %dma_start3A_21 = tpu.memref_slice %arg2[%add3A_20, %dma_start3A] : memref<160000x128xf32, #tpu.memory_space<hbm>> -> memref<200x128xf32, #tpu.memory_space<hbm>>
        %dma_start3A_22 = arith.constant 0 : i32
        %dma_start3A_23 = tpu.memref_slice %arg2[%add3A_20, %dma_start3A_22] : memref<160000x128xf32, #tpu.memory_space<hbm>> -> memref<200x128xf32, #tpu.memory_space<hbm>>
        tpu.enqueue_dma source(%dma_start3A_23 : memref<200x128xf32, #tpu.memory_space<hbm>>) target(%arg8 : memref<200x128xf32, #tpu.memory_space<vmem>>) target_semaphore(%run_scoped3A : memref<!tpu.dma_semaphore, #tpu.memory_space<semaphore_mem>>)
        %dma_wait3A = arith.constant 0 : i32
        %dma_wait3A_24 = tpu.memref_slice %arg2[%add3A_20, %dma_wait3A] : memref<160000x128xf32, #tpu.memory_space<hbm>> -> memref<200x128xf32, #tpu.memory_space<hbm>>
        %dma_wait3A_25 = arith.constant 0 : i32
        %dma_wait3A_26 = tpu.memref_slice %arg2[%add3A_20, %dma_wait3A_25] : memref<160000x128xf32, #tpu.memory_space<hbm>> -> memref<200x128xf32, #tpu.memory_space<hbm>>
        tpu.wait_dma2 semaphore(%run_scoped3A : memref<!tpu.dma_semaphore, #tpu.memory_space<semaphore_mem>>) src(%dma_wait3A_26 : memref<200x128xf32, #tpu.memory_space<hbm>>) dst(%arg8 : memref<200x128xf32, #tpu.memory_space<vmem>>)
        tpu.yield
      }) : () -> ()
      "tpu.region"() ({
        %run_scoped3A = tpu.sem_alloc : memref<!tpu.dma_semaphore, #tpu.memory_space<semaphore_mem>>
        %dma_start3A = arith.constant 0 : i32
        %dma_start3A_21 = arith.constant 0 : i32
        %dma_start3A_22 = tpu.memref_slice %arg6[%dma_start3A, %dma_start3A_21] : memref<10000x128xf32, #tpu.memory_space<vmem_shared>> -> memref<10000x128xf32, #tpu.memory_space<vmem_shared>>
        tpu.enqueue_indirect_dma source(%arg8 : memref<200x128xf32, #tpu.memory_space<vmem>>) target(%dma_start3A_22 : memref<10000x128xf32, #tpu.memory_space<vmem_shared>>) offsets(%arg7 : memref<200xi32, #tpu.memory_space<vmem>>) semaphore(%run_scoped3A : memref<!tpu.dma_semaphore, #tpu.memory_space<semaphore_mem>>) {add = true}
        %dma_wait3A = arith.constant 0 : i32
        %dma_wait3A_23 = arith.constant 0 : i32
        %dma_wait3A_24 = tpu.memref_slice %arg6[%dma_wait3A, %dma_wait3A_23] : memref<10000x128xf32, #tpu.memory_space<vmem_shared>> -> memref<10000x128xf32, #tpu.memory_space<vmem_shared>>
        tpu.wait_indirect_dma semaphore(%run_scoped3A : memref<!tpu.dma_semaphore, #tpu.memory_space<semaphore_mem>>) src(%arg8 : memref<200x128xf32, #tpu.memory_space<vmem>>) dst(%dma_wait3A_24 : memref<10000x128xf32, #tpu.memory_space<vmem_shared>>)
        tpu.yield
      }) : () -> ()
    }
    %scan3A_9 = arith.constant 25 : i32
    %barrier3A_10 = arith.constant 0 : index
    tpu.barrier barrier_id(%barrier3A_10)
    %mul3A_11 = arith.constant 625 : i32
    %mul3A_12 = arith.muli %arg1, %mul3A_11 : i32
    %mul3A_13 = arith.constant 625 : i32
    %mul3A_14 = arith.muli %arg1, %mul3A_13 : i32
    "tpu.region"() ({
      %run_scoped3A = tpu.sem_alloc : memref<!tpu.dma_semaphore, #tpu.memory_space<semaphore_mem>>
      %dma_start3A = arith.constant 0 : i32
      %dma_start3A_15 = tpu.memref_slice %arg5[%arg0, %mul3A_14, %dma_start3A] : memref<2x10000x128xf32, #tpu.memory_space<hbm>> -> memref<1x625x128xf32, #tpu.memory_space<hbm>>
      %dma_start3A_16 = tpu.memref_squeeze %dma_start3A_15 : memref<1x625x128xf32, #tpu.memory_space<hbm>> -> memref<625x128xf32, #tpu.memory_space<hbm>>
      %dma_start3A_17 = arith.constant 0 : i32
      %dma_start3A_18 = tpu.memref_slice %arg6[%mul3A_12, %dma_start3A_17] : memref<10000x128xf32, #tpu.memory_space<vmem_shared>> -> memref<625x128xf32, #tpu.memory_space<vmem_shared>>
      tpu.enqueue_dma source(%dma_start3A_18 : memref<625x128xf32, #tpu.memory_space<vmem_shared>>) target(%dma_start3A_16 : memref<625x128xf32, #tpu.memory_space<hbm>>) target_semaphore(%run_scoped3A : memref<!tpu.dma_semaphore, #tpu.memory_space<semaphore_mem>>)
      %dma_wait3A = arith.constant 0 : i32
      %dma_wait3A_19 = tpu.memref_slice %arg5[%arg0, %mul3A_14, %dma_wait3A] : memref<2x10000x128xf32, #tpu.memory_space<hbm>> -> memref<1x625x128xf32, #tpu.memory_space<hbm>>
      %dma_wait3A_20 = tpu.memref_squeeze %dma_wait3A_19 : memref<1x625x128xf32, #tpu.memory_space<hbm>> -> memref<625x128xf32, #tpu.memory_space<hbm>>
      %dma_wait3A_21 = arith.constant 0 : i32
      %dma_wait3A_22 = tpu.memref_slice %arg6[%mul3A_12, %dma_wait3A_21] : memref<10000x128xf32, #tpu.memory_space<vmem_shared>> -> memref<625x128xf32, #tpu.memory_space<vmem_shared>>
      tpu.wait_dma2 semaphore(%run_scoped3A : memref<!tpu.dma_semaphore, #tpu.memory_space<semaphore_mem>>) src(%dma_wait3A_22 : memref<625x128xf32, #tpu.memory_space<vmem_shared>>) dst(%dma_wait3A_20 : memref<625x128xf32, #tpu.memory_space<hbm>>)
      tpu.yield
    }) : () -> ()
    return
  }
}

#map = affine_map<(d0, d1) -> (0, 0)>
#map1 = affine_map<(d0, d1) -> (0)>
module attributes {stable_mosaic.version = 14 : i64} {
  func.func @_sc_gather(%arg0: i32, %arg1: i32, %arg2: memref<10000x144xbf16, #tpu.memory_space<hbm>>, %arg3: memref<10000x144xbf16, #tpu.memory_space<hbm>>, %arg4: memref<160000xi32, #tpu.memory_space<hbm>>, %arg5: memref<160000xi32, #tpu.memory_space<hbm>>, %arg6: memref<160000x144xbf16, #tpu.memory_space<hbm>>, %arg7: memref<200xi32, #tpu.memory_space<vmem>>, %arg8: memref<200xi32, #tpu.memory_space<vmem>>, %arg9: memref<200x144xbf16, #tpu.memory_space<vmem>>) attributes {dimension_semantics = [#tpu.dimension_semantics<core_parallel>, #tpu.dimension_semantics<subcore_parallel>], iteration_bounds = array<i64: 2, 16>, scalar_prefetch = 0 : i64, scratch_operands = 3 : i64, tpu.core_type = #tpu.core_type<sc_vector_subcore>, window_params = [{transform_indices = #map}, {transform_indices = #map}, {transform_indices = #map1}, {transform_indices = #map1}, {transform_indices = #map}]} {
    %mul3A = arith.constant 16 : i32
    %mul3A_0 = arith.muli %arg0, %mul3A : i32
    %add3A = arith.addi %mul3A_0, %arg1 : i32
    %scan3A = arith.constant 0 : i32
    %scan3A_1 = arith.constant 0 : i32
    %scan3A_2 = arith.constant 25 : i32
    %scan3A_3 = arith.addi %scan3A_1, %scan3A_2 : i32
    %scan3A_4 = arith.constant 1 : i32
    scf.for %scan3A_6 = %scan3A_1 to %scan3A_3 step %scan3A_4  : i32 {
      %mul3A_7 = arith.constant 5000 : i32
      %mul3A_8 = arith.muli %add3A, %mul3A_7 : i32
      %mul3A_9 = arith.constant 200 : i32
      %mul3A_10 = arith.muli %scan3A_6, %mul3A_9 : i32
      %add3A_11 = arith.addi %mul3A_8, %mul3A_10 : i32
      "tpu.region"() ({
        %run_scoped3A = tpu.sem_alloc : memref<!tpu.dma_semaphore, #tpu.memory_space<semaphore_mem>>
        %dma_start3A = tpu.memref_slice %arg4[%add3A_11] : memref<160000xi32, #tpu.memory_space<hbm>> -> memref<200xi32, #tpu.memory_space<hbm>>
        %dma_start3A_12 = tpu.memref_slice %arg4[%add3A_11] : memref<160000xi32, #tpu.memory_space<hbm>> -> memref<200xi32, #tpu.memory_space<hbm>>
        tpu.enqueue_dma source(%dma_start3A_12 : memref<200xi32, #tpu.memory_space<hbm>>) target(%arg7 : memref<200xi32, #tpu.memory_space<vmem>>) target_semaphore(%run_scoped3A : memref<!tpu.dma_semaphore, #tpu.memory_space<semaphore_mem>>)
        %dma_wait3A = tpu.memref_slice %arg4[%add3A_11] : memref<160000xi32, #tpu.memory_space<hbm>> -> memref<200xi32, #tpu.memory_space<hbm>>
        %dma_wait3A_13 = tpu.memref_slice %arg4[%add3A_11] : memref<160000xi32, #tpu.memory_space<hbm>> -> memref<200xi32, #tpu.memory_space<hbm>>
        tpu.wait_dma2 semaphore(%run_scoped3A : memref<!tpu.dma_semaphore, #tpu.memory_space<semaphore_mem>>) src(%dma_wait3A_13 : memref<200xi32, #tpu.memory_space<hbm>>) dst(%arg7 : memref<200xi32, #tpu.memory_space<vmem>>)
        tpu.yield
      }) : () -> ()
      "tpu.region"() ({
        %run_scoped3A = tpu.sem_alloc : memref<!tpu.dma_semaphore, #tpu.memory_space<semaphore_mem>>
        %dma_start3A = tpu.memref_slice %arg5[%add3A_11] : memref<160000xi32, #tpu.memory_space<hbm>> -> memref<200xi32, #tpu.memory_space<hbm>>
        %dma_start3A_12 = tpu.memref_slice %arg5[%add3A_11] : memref<160000xi32, #tpu.memory_space<hbm>> -> memref<200xi32, #tpu.memory_space<hbm>>
        tpu.enqueue_dma source(%dma_start3A_12 : memref<200xi32, #tpu.memory_space<hbm>>) target(%arg8 : memref<200xi32, #tpu.memory_space<vmem>>) target_semaphore(%run_scoped3A : memref<!tpu.dma_semaphore, #tpu.memory_space<semaphore_mem>>)
        %dma_wait3A = tpu.memref_slice %arg5[%add3A_11] : memref<160000xi32, #tpu.memory_space<hbm>> -> memref<200xi32, #tpu.memory_space<hbm>>
        %dma_wait3A_13 = tpu.memref_slice %arg5[%add3A_11] : memref<160000xi32, #tpu.memory_space<hbm>> -> memref<200xi32, #tpu.memory_space<hbm>>
        tpu.wait_dma2 semaphore(%run_scoped3A : memref<!tpu.dma_semaphore, #tpu.memory_space<semaphore_mem>>) src(%dma_wait3A_13 : memref<200xi32, #tpu.memory_space<hbm>>) dst(%arg8 : memref<200xi32, #tpu.memory_space<vmem>>)
        tpu.yield
      }) : () -> ()
      "tpu.region"() ({
        %run_scoped3A = tpu.sem_alloc : memref<!tpu.dma_semaphore, #tpu.memory_space<semaphore_mem>>
        %dma_start3A = arith.constant 0 : i32
        %dma_start3A_12 = arith.constant 0 : i32
        %dma_start3A_13 = tpu.memref_slice %arg2[%dma_start3A, %dma_start3A_12] : memref<10000x144xbf16, #tpu.memory_space<hbm>> -> memref<10000x144xbf16, #tpu.memory_space<hbm>>
        tpu.enqueue_indirect_dma source(%dma_start3A_13 : memref<10000x144xbf16, #tpu.memory_space<hbm>>) target(%arg9 : memref<200x144xbf16, #tpu.memory_space<vmem>>) offsets(%arg7 : memref<200xi32, #tpu.memory_space<vmem>>) semaphore(%run_scoped3A : memref<!tpu.dma_semaphore, #tpu.memory_space<semaphore_mem>>)
        %dma_wait3A = arith.constant 0 : i32
        %dma_wait3A_14 = arith.constant 0 : i32
        %dma_wait3A_15 = tpu.memref_slice %arg2[%dma_wait3A, %dma_wait3A_14] : memref<10000x144xbf16, #tpu.memory_space<hbm>> -> memref<10000x144xbf16, #tpu.memory_space<hbm>>
        tpu.wait_indirect_dma semaphore(%run_scoped3A : memref<!tpu.dma_semaphore, #tpu.memory_space<semaphore_mem>>) src(%dma_wait3A_15 : memref<10000x144xbf16, #tpu.memory_space<hbm>>) dst(%arg9 : memref<200x144xbf16, #tpu.memory_space<vmem>>)
        tpu.yield
      }) : () -> ()
      "tpu.region"() ({
        %run_scoped3A = tpu.sem_alloc : memref<!tpu.dma_semaphore, #tpu.memory_space<semaphore_mem>>
        %dma_start3A = arith.constant 0 : i32
        %dma_start3A_12 = arith.constant 0 : i32
        %dma_start3A_13 = tpu.memref_slice %arg3[%dma_start3A, %dma_start3A_12] : memref<10000x144xbf16, #tpu.memory_space<hbm>> -> memref<10000x144xbf16, #tpu.memory_space<hbm>>
        tpu.enqueue_indirect_dma source(%dma_start3A_13 : memref<10000x144xbf16, #tpu.memory_space<hbm>>) target(%arg9 : memref<200x144xbf16, #tpu.memory_space<vmem>>) offsets(%arg8 : memref<200xi32, #tpu.memory_space<vmem>>) semaphore(%run_scoped3A : memref<!tpu.dma_semaphore, #tpu.memory_space<semaphore_mem>>) {add = true}
        %dma_wait3A = arith.constant 0 : i32
        %dma_wait3A_14 = arith.constant 0 : i32
        %dma_wait3A_15 = tpu.memref_slice %arg3[%dma_wait3A, %dma_wait3A_14] : memref<10000x144xbf16, #tpu.memory_space<hbm>> -> memref<10000x144xbf16, #tpu.memory_space<hbm>>
        tpu.wait_indirect_dma semaphore(%run_scoped3A : memref<!tpu.dma_semaphore, #tpu.memory_space<semaphore_mem>>) src(%dma_wait3A_15 : memref<10000x144xbf16, #tpu.memory_space<hbm>>) dst(%arg9 : memref<200x144xbf16, #tpu.memory_space<vmem>>)
        tpu.yield
      }) : () -> ()
      "tpu.region"() ({
        %run_scoped3A = tpu.sem_alloc : memref<!tpu.dma_semaphore, #tpu.memory_space<semaphore_mem>>
        %dma_start3A = arith.constant 0 : i32
        %dma_start3A_12 = tpu.memref_slice %arg6[%add3A_11, %dma_start3A] : memref<160000x144xbf16, #tpu.memory_space<hbm>> -> memref<200x144xbf16, #tpu.memory_space<hbm>>
        %dma_start3A_13 = arith.constant 0 : i32
        %dma_start3A_14 = tpu.memref_slice %arg6[%add3A_11, %dma_start3A_13] : memref<160000x144xbf16, #tpu.memory_space<hbm>> -> memref<200x144xbf16, #tpu.memory_space<hbm>>
        tpu.enqueue_dma source(%arg9 : memref<200x144xbf16, #tpu.memory_space<vmem>>) target(%dma_start3A_14 : memref<200x144xbf16, #tpu.memory_space<hbm>>) target_semaphore(%run_scoped3A : memref<!tpu.dma_semaphore, #tpu.memory_space<semaphore_mem>>)
        %dma_wait3A = arith.constant 0 : i32
        %dma_wait3A_15 = tpu.memref_slice %arg6[%add3A_11, %dma_wait3A] : memref<160000x144xbf16, #tpu.memory_space<hbm>> -> memref<200x144xbf16, #tpu.memory_space<hbm>>
        %dma_wait3A_16 = arith.constant 0 : i32
        %dma_wait3A_17 = tpu.memref_slice %arg6[%add3A_11, %dma_wait3A_16] : memref<160000x144xbf16, #tpu.memory_space<hbm>> -> memref<200x144xbf16, #tpu.memory_space<hbm>>
        tpu.wait_dma2 semaphore(%run_scoped3A : memref<!tpu.dma_semaphore, #tpu.memory_space<semaphore_mem>>) src(%arg9 : memref<200x144xbf16, #tpu.memory_space<vmem>>) dst(%dma_wait3A_17 : memref<200x144xbf16, #tpu.memory_space<hbm>>)
        tpu.yield
      }) : () -> ()
    }
    %scan3A_5 = arith.constant 25 : i32
    return
  }
}

module attributes {stable_mosaic.version = 14 : i64} {
  func.func @_tables_body(%arg0: i32, %arg1: memref<1000x128xf32, #tpu.memory_space<vmem>>, %arg2: memref<128x384xf32, #tpu.memory_space<vmem>>, %arg3: memref<1000x16xbf16, #tpu.memory_space<vmem>>, %arg4: memref<1000x144xbf16, #tpu.memory_space<vmem>>, %arg5: memref<1000x144xbf16, #tpu.memory_space<vmem>>, %arg6: memref<1000x128xf32, #tpu.memory_space<vmem>>) attributes {dimension_semantics = [#tpu.dimension_semantics<arbitrary>], iteration_bounds = array<i64: 10>, scalar_prefetch = 0 : i64, scratch_operands = 0 : i64, tpu.core_type = #tpu.core_type<tc>, window_params = [{transform_indices = @transform_0, window_bounds = array<i64: 1000, 128>}, {pipeline_mode = #tpu.pipeline_mode<synchronous>, transform_indices = @transform_1, window_bounds = array<i64: 128, 384>}, {transform_indices = @transform_2, window_bounds = array<i64: 1000, 16>}, {transform_indices = @transform_3, window_bounds = array<i64: 1000, 144>}, {transform_indices = @transform_4, window_bounds = array<i64: 1000, 144>}, {transform_indices = @transform_5, window_bounds = array<i64: 1000, 128>}]} {
    %get3A = arith.constant 0 : index
    %get3A_0 = arith.constant 0 : index
    %get3A_1 = vector.load %arg1[%get3A, %get3A_0] : memref<1000x128xf32, #tpu.memory_space<vmem>>, vector<1000x128xf32>
    %get3A_2 = arith.constant 0 : index
    %get3A_3 = arith.constant 0 : index
    %get3A_4 = vector.load %arg2[%get3A_2, %get3A_3] : memref<128x384xf32, #tpu.memory_space<vmem>>, vector<128x384xf32>
    %dot_general3A = arith.constant dense<0.000000e+00> : vector<1000x384xf32>
    %dot_general3A_5 = tpu.matmul %get3A_1, %get3A_4, %dot_general3A {dimension_numbers = #tpu.dot_dimension_numbers<[1], [0], [0], [1], [0, 0, 1, 1], [], []>, transpose_lhs_hint = false} : vector<1000x128xf32>, vector<128x384xf32>, vector<1000x384xf32> -> vector<1000x384xf32>
    %get3A_6 = arith.constant 0 : index
    %get3A_7 = arith.constant 0 : index
    %get3A_8 = vector.load %arg3[%get3A_6, %get3A_7] : memref<1000x16xbf16, #tpu.memory_space<vmem>>, vector<1000x16xbf16>
    %slice3A = vector.extract_strided_slice %dot_general3A_5 {offsets = [0, 0], sizes = [1000, 128], strides = [1, 1]} : vector<1000x384xf32> to vector<1000x128xf32>
    %convert_element_type3A = arith.truncf %slice3A : vector<1000x128xf32> to vector<1000x128xbf16>
    %concatenate3A = tpu.concatenate %convert_element_type3A, %get3A_8 in 1 : vector<1000x128xbf16>, vector<1000x16xbf16> -> vector<1000x144xbf16>
    %swap3A = arith.constant 0 : index
    %swap3A_9 = arith.constant 0 : index
    %swap3A_10 = vector.load %arg4[%swap3A, %swap3A_9] : memref<1000x144xbf16, #tpu.memory_space<vmem>>, vector<1000x144xbf16>
    tpu.vector_store %arg4[%swap3A, %swap3A_9], %concatenate3A {strides = array<i32>} : memref<1000x144xbf16, #tpu.memory_space<vmem>>, vector<1000x144xbf16>,
    %slice3A_11 = vector.extract_strided_slice %dot_general3A_5 {offsets = [0, 128], sizes = [1000, 128], strides = [1, 1]} : vector<1000x384xf32> to vector<1000x128xf32>
    %convert_element_type3A_12 = arith.truncf %slice3A_11 : vector<1000x128xf32> to vector<1000x128xbf16>
    %neg3A = arith.constant 0.000000e+00 : bf16
    %neg3A_13 = vector.broadcast %neg3A : bf16 to vector<1000x16xbf16>
    %neg3A_14 = arith.subf %neg3A_13, %get3A_8 : vector<1000x16xbf16>
    %concatenate3A_15 = tpu.concatenate %convert_element_type3A_12, %neg3A_14 in 1 : vector<1000x128xbf16>, vector<1000x16xbf16> -> vector<1000x144xbf16>
    %swap3A_16 = arith.constant 0 : index
    %swap3A_17 = arith.constant 0 : index
    %swap3A_18 = vector.load %arg5[%swap3A_16, %swap3A_17] : memref<1000x144xbf16, #tpu.memory_space<vmem>>, vector<1000x144xbf16>
    tpu.vector_store %arg5[%swap3A_16, %swap3A_17], %concatenate3A_15 {strides = array<i32>} : memref<1000x144xbf16, #tpu.memory_space<vmem>>, vector<1000x144xbf16>,
    %slice3A_19 = vector.extract_strided_slice %dot_general3A_5 {offsets = [0, 256], sizes = [1000, 128], strides = [1, 1]} : vector<1000x384xf32> to vector<1000x128xf32>
    %swap3A_20 = arith.constant 0 : index
    %swap3A_21 = arith.constant 0 : index
    %swap3A_22 = vector.load %arg6[%swap3A_20, %swap3A_21] : memref<1000x128xf32, #tpu.memory_space<vmem>>, vector<1000x128xf32>
    tpu.vector_store %arg6[%swap3A_20, %swap3A_21], %slice3A_19 {strides = array<i32>} : memref<1000x128xf32, #tpu.memory_space<vmem>>, vector<1000x128xf32>,
    return
  }
  func.func @transform_0(%arg0: i32) -> (i32, i32) {
    %c0_i32 = arith.constant 0 : i32
    %c0_i32_0 = arith.constant 0 : i32
    return %arg0, %c0_i32 : i32, i32
  }
  func.func @transform_1(%arg0: i32) -> (i32, i32) {
    %c0_i32 = arith.constant 0 : i32
    %c0_i32_0 = arith.constant 0 : i32
    %c0_i32_1 = arith.constant 0 : i32
    return %c0_i32, %c0_i32_0 : i32, i32
  }
  func.func @transform_2(%arg0: i32) -> (i32, i32) {
    %c0_i32 = arith.constant 0 : i32
    %c0_i32_0 = arith.constant 0 : i32
    return %arg0, %c0_i32 : i32, i32
  }
  func.func @transform_3(%arg0: i32) -> (i32, i32) {
    %c0_i32 = arith.constant 0 : i32
    %c0_i32_0 = arith.constant 0 : i32
    return %arg0, %c0_i32 : i32, i32
  }
  func.func @transform_4(%arg0: i32) -> (i32, i32) {
    %c0_i32 = arith.constant 0 : i32
    %c0_i32_0 = arith.constant 0 : i32
    return %arg0, %c0_i32 : i32, i32
  }
  func.func @transform_5(%arg0: i32) -> (i32, i32) {
    %c0_i32 = arith.constant 0 : i32
    %c0_i32_0 = arith.constant 0 : i32
    return %arg0, %c0_i32 : i32, i32
  }
}

module attributes {stable_mosaic.version = 14 : i64} {
  func.func @_edge_body(%arg0: i32, %arg1: memref<2000x144xbf16, #tpu.memory_space<vmem>>, %arg2: memref<2000x16xf32, #tpu.memory_space<vmem>>, %arg3: memref<2000x1xf32, #tpu.memory_space<vmem>>, %arg4: memref<16x128xf32, #tpu.memory_space<vmem>>, %arg5: memref<1x128xf32, #tpu.memory_space<vmem>>, %arg6: memref<1x128xf32, #tpu.memory_space<vmem>>, %arg7: memref<128x128xf32, #tpu.memory_space<vmem>>, %arg8: memref<1x128xf32, #tpu.memory_space<vmem>>, %arg9: memref<2000x128xf32, #tpu.memory_space<vmem>>) attributes {dimension_semantics = [#tpu.dimension_semantics<arbitrary>], iteration_bounds = array<i64: 80>, scalar_prefetch = 0 : i64, scratch_operands = 0 : i64, tpu.core_type = #tpu.core_type<tc>, window_params = [{transform_indices = @transform_0, window_bounds = array<i64: 2000, 144>}, {transform_indices = @transform_1, window_bounds = array<i64: 2000, 16>}, {transform_indices = @transform_2, window_bounds = array<i64: 2000, 1>}, {pipeline_mode = #tpu.pipeline_mode<synchronous>, transform_indices = @transform_3, window_bounds = array<i64: 16, 128>}, {pipeline_mode = #tpu.pipeline_mode<synchronous>, transform_indices = @transform_4, window_bounds = array<i64: 1, 128>}, {pipeline_mode = #tpu.pipeline_mode<synchronous>, transform_indices = @transform_5, window_bounds = array<i64: 1, 128>}, {pipeline_mode = #tpu.pipeline_mode<synchronous>, transform_indices = @transform_6, window_bounds = array<i64: 128, 128>}, {pipeline_mode = #tpu.pipeline_mode<synchronous>, transform_indices = @transform_7, window_bounds = array<i64: 1, 128>}, {transform_indices = @transform_8, window_bounds = array<i64: 2000, 128>}]} {
    %get3A = arith.constant 0 : index
    %get3A_0 = arith.constant 0 : index
    %get3A_1 = vector.load %arg1[%get3A, %get3A_0] : memref<2000x144xbf16, #tpu.memory_space<vmem>>, vector<2000x144xbf16>
    %slice3A = vector.extract_strided_slice %get3A_1 {offsets = [0, 128], sizes = [2000, 16], strides = [1, 1]} : vector<2000x144xbf16> to vector<2000x16xbf16>
    %convert_element_type3A = arith.extf %slice3A : vector<2000x16xbf16> to vector<2000x16xf32>
    %mul3A = arith.mulf %convert_element_type3A, %convert_element_type3A : vector<2000x16xf32>
    %reduce_sum3A = arith.constant dense<0.000000e+00> : vector<2000xf32>
    %reduce_sum3A_2 = vector.multi_reduction <add>, %mul3A, %reduce_sum3A [1] : vector<2000x16xf32> to vector<2000xf32>
    %broadcast_in_dim3A = vector.shape_cast %reduce_sum3A_2 : vector<2000xf32> to vector<2000x1xf32>
    %slice3A_3 = vector.extract_strided_slice %get3A_1 {offsets = [0, 0], sizes = [2000, 128], strides = [1, 1]} : vector<2000x144xbf16> to vector<2000x128xbf16>
    %convert_element_type3A_4 = arith.extf %slice3A_3 : vector<2000x128xbf16> to vector<2000x128xf32>
    %get3A_5 = arith.constant 0 : index
    %get3A_6 = arith.constant 0 : index
    %get3A_7 = vector.load %arg5[%get3A_5, %get3A_6] : memref<1x128xf32, #tpu.memory_space<vmem>>, vector<1x128xf32>
    %mul3A_8 = vector.broadcast %broadcast_in_dim3A : vector<2000x1xf32> to vector<2000x128xf32>
    %mul3A_9 = vector.broadcast %get3A_7 : vector<1x128xf32> to vector<2000x128xf32>
    %mul3A_10 = arith.mulf %mul3A_8, %mul3A_9 : vector<2000x128xf32>
    %add3A = arith.addf %convert_element_type3A_4, %mul3A_10 : vector<2000x128xf32>
    %get3A_11 = arith.constant 0 : index
    %get3A_12 = arith.constant 0 : index
    %get3A_13 = vector.load %arg6[%get3A_11, %get3A_12] : memref<1x128xf32, #tpu.memory_space<vmem>>, vector<1x128xf32>
    %add3A_14 = vector.broadcast %get3A_13 : vector<1x128xf32> to vector<2000x128xf32>
    %add3A_15 = arith.addf %add3A, %add3A_14 : vector<2000x128xf32>
    %get3A_16 = arith.constant 0 : index
    %get3A_17 = arith.constant 0 : index
    %get3A_18 = vector.load %arg2[%get3A_16, %get3A_17] : memref<2000x16xf32, #tpu.memory_space<vmem>>, vector<2000x16xf32>
    %get3A_19 = arith.constant 0 : index
    %get3A_20 = arith.constant 0 : index
    %get3A_21 = vector.load %arg4[%get3A_19, %get3A_20] : memref<16x128xf32, #tpu.memory_space<vmem>>, vector<16x128xf32>
    %dot_general3A = arith.constant dense<0.000000e+00> : vector<2000x128xf32>
    %dot_general3A_22 = tpu.matmul %get3A_18, %get3A_21, %dot_general3A {dimension_numbers = #tpu.dot_dimension_numbers<[1], [0], [0], [1], [0, 0, 1, 1], [], []>, transpose_lhs_hint = false} : vector<2000x16xf32>, vector<16x128xf32>, vector<2000x128xf32> -> vector<2000x128xf32>
    %add3A_23 = arith.addf %add3A_15, %dot_general3A_22 : vector<2000x128xf32>
    %logistic3A = arith.negf %add3A_23 : vector<2000x128xf32>
    %logistic3A_24 = math.exp %logistic3A : vector<2000x128xf32>
    %logistic3A_25 = arith.constant 1.000000e+00 : f32
    %logistic3A_26 = vector.broadcast %logistic3A_25 : f32 to vector<2000x128xf32>
    %logistic3A_27 = arith.addf %logistic3A_26, %logistic3A_24 : vector<2000x128xf32>
    %logistic3A_28 = arith.divf %logistic3A_26, %logistic3A_27 : vector<2000x128xf32>
    %mul3A_29 = arith.mulf %add3A_23, %logistic3A_28 : vector<2000x128xf32>
    %get3A_30 = arith.constant 0 : index
    %get3A_31 = arith.constant 0 : index
    %get3A_32 = vector.load %arg7[%get3A_30, %get3A_31] : memref<128x128xf32, #tpu.memory_space<vmem>>, vector<128x128xf32>
    %dot_general3A_33 = arith.constant dense<0.000000e+00> : vector<2000x128xf32>
    %dot_general3A_34 = tpu.matmul %mul3A_29, %get3A_32, %dot_general3A_33 {dimension_numbers = #tpu.dot_dimension_numbers<[1], [0], [0], [1], [0, 0, 1, 1], [], []>, transpose_lhs_hint = false} : vector<2000x128xf32>, vector<128x128xf32>, vector<2000x128xf32> -> vector<2000x128xf32>
    %get3A_35 = arith.constant 0 : index
    %get3A_36 = arith.constant 0 : index
    %get3A_37 = vector.load %arg8[%get3A_35, %get3A_36] : memref<1x128xf32, #tpu.memory_space<vmem>>, vector<1x128xf32>
    %add3A_38 = vector.broadcast %get3A_37 : vector<1x128xf32> to vector<2000x128xf32>
    %add3A_39 = arith.addf %dot_general3A_34, %add3A_38 : vector<2000x128xf32>
    %logistic3A_40 = arith.negf %add3A_39 : vector<2000x128xf32>
    %logistic3A_41 = math.exp %logistic3A_40 : vector<2000x128xf32>
    %logistic3A_42 = arith.constant 1.000000e+00 : f32
    %logistic3A_43 = vector.broadcast %logistic3A_42 : f32 to vector<2000x128xf32>
    %logistic3A_44 = arith.addf %logistic3A_43, %logistic3A_41 : vector<2000x128xf32>
    %logistic3A_45 = arith.divf %logistic3A_43, %logistic3A_44 : vector<2000x128xf32>
    %mul3A_46 = arith.mulf %add3A_39, %logistic3A_45 : vector<2000x128xf32>
    %get3A_47 = arith.constant 0 : index
    %get3A_48 = arith.constant 0 : index
    %get3A_49 = vector.load %arg3[%get3A_47, %get3A_48] : memref<2000x1xf32, #tpu.memory_space<vmem>>, vector<2000x1xf32>
    %mul3A_50 = vector.broadcast %get3A_49 : vector<2000x1xf32> to vector<2000x128xf32>
    %mul3A_51 = arith.mulf %mul3A_46, %mul3A_50 : vector<2000x128xf32>
    %swap3A = arith.constant 0 : index
    %swap3A_52 = arith.constant 0 : index
    %swap3A_53 = vector.load %arg9[%swap3A, %swap3A_52] : memref<2000x128xf32, #tpu.memory_space<vmem>>, vector<2000x128xf32>
    tpu.vector_store %arg9[%swap3A, %swap3A_52], %mul3A_51 {strides = array<i32>} : memref<2000x128xf32, #tpu.memory_space<vmem>>, vector<2000x128xf32>,
    return
  }
  func.func @transform_0(%arg0: i32) -> (i32, i32) {
    %c0_i32 = arith.constant 0 : i32
    %c0_i32_0 = arith.constant 0 : i32
    return %arg0, %c0_i32 : i32, i32
  }
  func.func @transform_1(%arg0: i32) -> (i32, i32) {
    %c0_i32 = arith.constant 0 : i32
    %c0_i32_0 = arith.constant 0 : i32
    return %arg0, %c0_i32 : i32, i32
  }
  func.func @transform_2(%arg0: i32) -> (i32, i32) {
    %c0_i32 = arith.constant 0 : i32
    %c0_i32_0 = arith.constant 0 : i32
    return %arg0, %c0_i32 : i32, i32
  }
  func.func @transform_3(%arg0: i32) -> (i32, i32) {
    %c0_i32 = arith.constant 0 : i32
    %c0_i32_0 = arith.constant 0 : i32
    %c0_i32_1 = arith.constant 0 : i32
    return %c0_i32, %c0_i32_0 : i32, i32
  }
  func.func @transform_4(%arg0: i32) -> (i32, i32) {
    %c0_i32 = arith.constant 0 : i32
    %c0_i32_0 = arith.constant 0 : i32
    %c0_i32_1 = arith.constant 0 : i32
    return %c0_i32, %c0_i32_0 : i32, i32
  }
  func.func @transform_5(%arg0: i32) -> (i32, i32) {
    %c0_i32 = arith.constant 0 : i32
    %c0_i32_0 = arith.constant 0 : i32
    %c0_i32_1 = arith.constant 0 : i32
    return %c0_i32, %c0_i32_0 : i32, i32
  }
  func.func @transform_6(%arg0: i32) -> (i32, i32) {
    %c0_i32 = arith.constant 0 : i32
    %c0_i32_0 = arith.constant 0 : i32
    %c0_i32_1 = arith.constant 0 : i32
    return %c0_i32, %c0_i32_0 : i32, i32
  }
  func.func @transform_7(%arg0: i32) -> (i32, i32) {
    %c0_i32 = arith.constant 0 : i32
    %c0_i32_0 = arith.constant 0 : i32
    %c0_i32_1 = arith.constant 0 : i32
    return %c0_i32, %c0_i32_0 : i32, i32
  }
  func.func @transform_8(%arg0: i32) -> (i32, i32) {
    %c0_i32 = arith.constant 0 : i32
    %c0_i32_0 = arith.constant 0 : i32
    return %arg0, %c0_i32 : i32, i32
  }
}

module attributes {stable_mosaic.version = 14 : i64} {
  func.func @_node_body(%arg0: i32, %arg1: memref<1000x128xf32, #tpu.memory_space<vmem>>, %arg2: memref<1000x128xf32, #tpu.memory_space<vmem>>, %arg3: memref<1000x128xf32, #tpu.memory_space<vmem>>, %arg4: memref<1000x128xf32, #tpu.memory_space<vmem>>, %arg5: memref<1000x128xf32, #tpu.memory_space<vmem>>, %arg6: memref<128x128xf32, #tpu.memory_space<vmem>>, %arg7: memref<1x128xf32, #tpu.memory_space<vmem>>, %arg8: memref<128x128xf32, #tpu.memory_space<vmem>>, %arg9: memref<1x128xf32, #tpu.memory_space<vmem>>, %arg10: memref<1000x128xf32, #tpu.memory_space<vmem>>) attributes {dimension_semantics = [#tpu.dimension_semantics<arbitrary>], iteration_bounds = array<i64: 10>, scalar_prefetch = 0 : i64, scratch_operands = 0 : i64, tpu.core_type = #tpu.core_type<tc>, window_params = [{transform_indices = @transform_0, window_bounds = array<i64: 1000, 128>}, {transform_indices = @transform_1, window_bounds = array<i64: 1000, 128>}, {transform_indices = @transform_2, window_bounds = array<i64: 1000, 128>}, {transform_indices = @transform_3, window_bounds = array<i64: 1000, 128>}, {transform_indices = @transform_4, window_bounds = array<i64: 1000, 128>}, {pipeline_mode = #tpu.pipeline_mode<synchronous>, transform_indices = @transform_5, window_bounds = array<i64: 128, 128>}, {pipeline_mode = #tpu.pipeline_mode<synchronous>, transform_indices = @transform_6, window_bounds = array<i64: 1, 128>}, {pipeline_mode = #tpu.pipeline_mode<synchronous>, transform_indices = @transform_7, window_bounds = array<i64: 128, 128>}, {pipeline_mode = #tpu.pipeline_mode<synchronous>, transform_indices = @transform_8, window_bounds = array<i64: 1, 128>}, {transform_indices = @transform_9, window_bounds = array<i64: 1000, 128>}]} {
    %get3A = arith.constant 0 : index
    %get3A_0 = arith.constant 0 : index
    %get3A_1 = vector.load %arg2[%get3A, %get3A_0] : memref<1000x128xf32, #tpu.memory_space<vmem>>, vector<1000x128xf32>
    %get3A_2 = arith.constant 0 : index
    %get3A_3 = arith.constant 0 : index
    %get3A_4 = vector.load %arg3[%get3A_2, %get3A_3] : memref<1000x128xf32, #tpu.memory_space<vmem>>, vector<1000x128xf32>
    %add3A = arith.addf %get3A_1, %get3A_4 : vector<1000x128xf32>
    %get3A_5 = arith.constant 0 : index
    %get3A_6 = arith.constant 0 : index
    %get3A_7 = vector.load %arg4[%get3A_5, %get3A_6] : memref<1000x128xf32, #tpu.memory_space<vmem>>, vector<1000x128xf32>
    %get3A_8 = arith.constant 0 : index
    %get3A_9 = arith.constant 0 : index
    %get3A_10 = vector.load %arg5[%get3A_8, %get3A_9] : memref<1000x128xf32, #tpu.memory_space<vmem>>, vector<1000x128xf32>
    %add3A_11 = arith.addf %get3A_7, %get3A_10 : vector<1000x128xf32>
    %add3A_12 = arith.addf %add3A, %add3A_11 : vector<1000x128xf32>
    %get3A_13 = arith.constant 0 : index
    %get3A_14 = arith.constant 0 : index
    %get3A_15 = vector.load %arg1[%get3A_13, %get3A_14] : memref<1000x128xf32, #tpu.memory_space<vmem>>, vector<1000x128xf32>
    %get3A_16 = arith.constant 0 : index
    %get3A_17 = arith.constant 0 : index
    %get3A_18 = vector.load %arg7[%get3A_16, %get3A_17] : memref<1x128xf32, #tpu.memory_space<vmem>>, vector<1x128xf32>
    %add3A_19 = vector.broadcast %get3A_18 : vector<1x128xf32> to vector<1000x128xf32>
    %add3A_20 = arith.addf %get3A_15, %add3A_19 : vector<1000x128xf32>
    %get3A_21 = arith.constant 0 : index
    %get3A_22 = arith.constant 0 : index
    %get3A_23 = vector.load %arg6[%get3A_21, %get3A_22] : memref<128x128xf32, #tpu.memory_space<vmem>>, vector<128x128xf32>
    %dot_general3A = arith.constant dense<0.000000e+00> : vector<1000x128xf32>
    %dot_general3A_24 = tpu.matmul %add3A_12, %get3A_23, %dot_general3A {dimension_numbers = #tpu.dot_dimension_numbers<[1], [0], [0], [1], [0, 0, 1, 1], [], []>, transpose_lhs_hint = false} : vector<1000x128xf32>, vector<128x128xf32>, vector<1000x128xf32> -> vector<1000x128xf32>
    %add3A_25 = arith.addf %add3A_20, %dot_general3A_24 : vector<1000x128xf32>
    %logistic3A = arith.negf %add3A_25 : vector<1000x128xf32>
    %logistic3A_26 = math.exp %logistic3A : vector<1000x128xf32>
    %logistic3A_27 = arith.constant 1.000000e+00 : f32
    %logistic3A_28 = vector.broadcast %logistic3A_27 : f32 to vector<1000x128xf32>
    %logistic3A_29 = arith.addf %logistic3A_28, %logistic3A_26 : vector<1000x128xf32>
    %logistic3A_30 = arith.divf %logistic3A_28, %logistic3A_29 : vector<1000x128xf32>
    %mul3A = arith.mulf %add3A_25, %logistic3A_30 : vector<1000x128xf32>
    %get3A_31 = arith.constant 0 : index
    %get3A_32 = arith.constant 0 : index
    %get3A_33 = vector.load %arg8[%get3A_31, %get3A_32] : memref<128x128xf32, #tpu.memory_space<vmem>>, vector<128x128xf32>
    %dot_general3A_34 = arith.constant dense<0.000000e+00> : vector<1000x128xf32>
    %dot_general3A_35 = tpu.matmul %mul3A, %get3A_33, %dot_general3A_34 {dimension_numbers = #tpu.dot_dimension_numbers<[1], [0], [0], [1], [0, 0, 1, 1], [], []>, transpose_lhs_hint = false} : vector<1000x128xf32>, vector<128x128xf32>, vector<1000x128xf32> -> vector<1000x128xf32>
    %get3A_36 = arith.constant 0 : index
    %get3A_37 = arith.constant 0 : index
    %get3A_38 = vector.load %arg9[%get3A_36, %get3A_37] : memref<1x128xf32, #tpu.memory_space<vmem>>, vector<1x128xf32>
    %add3A_39 = vector.broadcast %get3A_38 : vector<1x128xf32> to vector<1000x128xf32>
    %add3A_40 = arith.addf %dot_general3A_35, %add3A_39 : vector<1000x128xf32>
    %swap3A = arith.constant 0 : index
    %swap3A_41 = arith.constant 0 : index
    %swap3A_42 = vector.load %arg10[%swap3A, %swap3A_41] : memref<1000x128xf32, #tpu.memory_space<vmem>>, vector<1000x128xf32>
    tpu.vector_store %arg10[%swap3A, %swap3A_41], %add3A_40 {strides = array<i32>} : memref<1000x128xf32, #tpu.memory_space<vmem>>, vector<1000x128xf32>,
    return
  }
  func.func @transform_0(%arg0: i32) -> (i32, i32) {
    %c0_i32 = arith.constant 0 : i32
    %c0_i32_0 = arith.constant 0 : i32
    return %arg0, %c0_i32 : i32, i32
  }
  func.func @transform_1(%arg0: i32) -> (i32, i32) {
    %c0_i32 = arith.constant 0 : i32
    %c0_i32_0 = arith.constant 0 : i32
    return %arg0, %c0_i32 : i32, i32
  }
  func.func @transform_2(%arg0: i32) -> (i32, i32) {
    %c0_i32 = arith.constant 0 : i32
    %c0_i32_0 = arith.constant 0 : i32
    return %arg0, %c0_i32 : i32, i32
  }
  func.func @transform_3(%arg0: i32) -> (i32, i32) {
    %c0_i32 = arith.constant 0 : i32
    %c0_i32_0 = arith.constant 0 : i32
    return %arg0, %c0_i32 : i32, i32
  }
  func.func @transform_4(%arg0: i32) -> (i32, i32) {
    %c0_i32 = arith.constant 0 : i32
    %c0_i32_0 = arith.constant 0 : i32
    return %arg0, %c0_i32 : i32, i32
  }
  func.func @transform_5(%arg0: i32) -> (i32, i32) {
    %c0_i32 = arith.constant 0 : i32
    %c0_i32_0 = arith.constant 0 : i32
    %c0_i32_1 = arith.constant 0 : i32
    return %c0_i32, %c0_i32_0 : i32, i32
  }
  func.func @transform_6(%arg0: i32) -> (i32, i32) {
    %c0_i32 = arith.constant 0 : i32
    %c0_i32_0 = arith.constant 0 : i32
    %c0_i32_1 = arith.constant 0 : i32
    return %c0_i32, %c0_i32_0 : i32, i32
  }
  func.func @transform_7(%arg0: i32) -> (i32, i32) {
    %c0_i32 = arith.constant 0 : i32
    %c0_i32_0 = arith.constant 0 : i32
    %c0_i32_1 = arith.constant 0 : i32
    return %c0_i32, %c0_i32_0 : i32, i32
  }
  func.func @transform_8(%arg0: i32) -> (i32, i32) {
    %c0_i32 = arith.constant 0 : i32
    %c0_i32_0 = arith.constant 0 : i32
    %c0_i32_1 = arith.constant 0 : i32
    return %c0_i32, %c0_i32_0 : i32, i32
  }
  func.func @transform_9(%arg0: i32) -> (i32, i32) {
    %c0_i32 = arith.constant 0 : i32
    %c0_i32_0 = arith.constant 0 : i32
    return %arg0, %c0_i32 : i32, i32
  }
}

</mosaic_0001>

<sc_bundles>
// kernel: kernel.10.cloned.1.call-start
scs
__scs_entry_jumppad:
0x0: {  	(pc) =	sbr.rel $0x88, $3  }
0x1: {  	(tag) =	ssettag $0x0;
	lr =	simm.s32 $0x1  }
0x2: {  	[smem:$0x3F94] =	sst lr;
	_ =	strace $0xD0000000  }
0x3: {  	_ = 	snop  }
0x4: {  	_ = 	snop  }
0x5: {  	_ = 	snop  }
0x6: {  	_ = 	snop  }
0x7: {  	_ = 	snop  }
__scs_overlays_trampoline_lowered:
0x8: {  	[smem:$0x3FA3] =	sst s0  }
0x9: {  	[smem:$0x3FA4] =	sst s1  }
0xa: {  	[smem:$0x3FA5] =	sst s2  }
0xb: {  	[smem:$0x3FA6] =	sst s3  }
0xc: {  	[smem:$0x3FA7] =	sst s4  }
0xd: {  	[smem:$0x3FA8] =	sst s5  }
0xe: {  	[smem:$0x3FA9] =	sst s6  }
0xf: {  	[smem:$0x3FAA] =	sst s7  }
0x10: {  	[smem:$0x3FAB] =	sst s8  }
0x11: {  	[smem:$0x3FAC] =	sst s9;
	s0 =	simm.s32 @!p0 $0x0  }
0x12: {  	s1 =	sld [smem:$0x3F92];
	s0 =	simm.s32 @p0 $0x1  }
0x13: {  	[smem:$0x3FAD] =	sst s0;
	s0 =	simm.s32 @!p1 $0x0  }
0x14: {  	s2 =	sld [smem:$0x3F91];
	s0 =	simm.s32 @p1 $0x1  }
0x15: {  	[smem:$0x3FAE] =	sst s0;
	s0 =	simm.s32 @!p2 $0x0  }
0x16: {  	s3 =	sld [smem:$0x3FDB];
	s0 =	simm.s32 @p2 $0x1  }
0x17: {  	s4 =	simm.s32 $0x1BF5;
	[smem:$0x3FB0] =	sst s0  }
0x18: {  	s0 =	sld [smem:$0x3F93];
	_ =	swait.ge [sflag:s4], $0x0  }
0x19: {  	s7 =	sld [smem:$0x3F94]  }
0x1a: {  	s8 =	sadd.s32 $0xFFFFE003, lr  }
0x1b: {  	s9 =	sadd.s32 $0xFFFFFEF7, lr;
	s5 =	simm.s32 $0xFFFFFFFF;
	p2 =	slt.u32 s8, $0xFFFFF086  }
0x1c: {  	p1 =	slt.u32 s9, $0xF7A;
	s5 =	simm.s32 @!p2 $0x0  }
0x1d: {  	s5 =	simm.s32 @p1 $0x1;
	p0 =	seq.s32 s7, s2  }
0x1e: {  	s7 =	smul.u32 @!p0 $0xF7A, s2;
	p2 =	seq.s32 @!p0 s5, $0x0  }
0x1f: {  	s9 =	smul.u32 $0xF7A, s1;
	s8 =	simm.s32 @!p0 $0x1BF5;
	p2 =	por !p2, p0  }
0x20: {  	[sflag:s8] =	ssyncset.s32 @!p0 $0xFFFFF086;
	s6 =	sadd.s32 @!p0 s3, s7;
	s7 =	simm.s32 @!p0 $0x108  }
0x21: {  	s3 =	sadd.s32 s3, s9;
	s6 =	sadd.s32 @!p0 $0x88, s6;
	s7 =	simm.s32 @p2 $0x1082  }
0x22: {  	[simem:s7], [sflag:s8] =	dma.local @!p0 [hbm:s6], $0xF7A  }
0x23: {  	s9 =	sor.u32 $0xD0000000, s2;
	s6 =	simm.s32 $0x108;
	_ =	swait.ge @!p0 [sflag:s8], $0x0  }
0x24: {  	s3 =	sadd.s32 $0x88, s3;
	s6 =	simm.s32 @!p1 $0x1082;
	[sflag:s4] =	ssyncset.s32 $0xFFFFF086  }
0x25: {  	[simem:s6], [sflag:s4] =	dma.local [hbm:s3], $0xF7A  }
0x26: {  	[smem:$0x3F94] =	sst s1;
	(tag) =	ssettag s2;
	_ =	strace s9  }
0x27: {  	s1 =	sld [smem:$0x3FA4]  }
0x28: {  	s2 =	sld [smem:$0x3FA5]  }
0x29: {  	s4 =	sld [smem:$0x3FA7]  }
0x2a: {  	p0 =	seq.s32 s5, $0x0;
	s5 =	sld [smem:$0x3FA8]  }
0x2b: {  	s6 =	sld [smem:$0x3FA9]  }
0x2c: {  	s7 =	sld [smem:$0x3FAA]  }
0x2d: {  	s3 =	simm.s32 $0x108;
	s8 =	sld [smem:$0x3FAB]  }
0x2e: {  	s3 =	simm.s32 @!p0 $0x1082;
	s9 =	sld [smem:$0x3FAC]  }
0x2f: {  	lr =	sadd.s32 s0, s3;
	s0 =	sld [smem:$0x3FA3]  }
0x30: {  	s3 =	sld [smem:$0x3FA6]  }
0x31: {  	[smem:$0x3FAF] =	sst s10  }
0x32: {  	s10 =	sld [smem:$0x3FAD];
	_ =	sdelay $0x3  }
0x33: {  	p0 =	seq.s32 s10, $0x1;
	s10 =	sld [smem:$0x3FAF];
	_ =	sdelay $0x3  }
0x34: {  	[smem:$0x3FAF] =	sst s10  }
0x35: {  	s10 =	sld [smem:$0x3FAE];
	_ =	sdelay $0x3  }
0x36: {  	p1 =	seq.s32 s10, $0x1;
	s10 =	sld [smem:$0x3FAF];
	_ =	sdelay $0x3  }
0x37: {  	[smem:$0x3FAF] =	sst s10  }
0x38: {  	s10 =	sld [smem:$0x3FB0]  }
0x39: {  	_ = 	snop;
	(pc) =	sbr.ind lr, $3  }
0x3a: {  	_ = 	snop  }
0x3b: {  	_ = 	snop  }
0x3c: {  	p2 =	seq.s32 s10, $0x1;
	s10 =	sld [smem:$0x3FAF]  }
0x3d: {  	_ =	shalt  }
0x3e: {  	_ =	shalt  }
0x3f: {  	_ =	shalt  }
0x40: {  	_ =	shalt  }
0x41: {  	_ =	shalt  }
0x42: {  	_ =	shalt  }
0x43: {  	_ =	shalt  }
0x44: {  	_ =	shalt  }
0x45: {  	_ =	shalt  }
0x46: {  	_ =	shalt  }
0x47: {  	_ =	shalt  }
0x48: {  	_ =	shalt  }
0x49: {  	_ =	shalt  }
0x4a: {  	_ =	shalt  }
0x4b: {  	_ =	shalt  }
0x4c: {  	_ =	shalt  }
0x4d: {  	_ =	shalt  }
0x4e: {  	_ =	shalt  }
0x4f: {  	_ =	shalt  }
0x50: {  	_ =	shalt  }
0x51: {  	_ =	shalt  }
0x52: {  	_ =	shalt  }
0x53: {  	_ =	shalt  }
0x54: {  	_ =	shalt  }
0x55: {  	_ =	shalt  }
0x56: {  	_ =	shalt  }
0x57: {  	_ =	shalt  }
0x58: {  	_ =	shalt  }
0x59: {  	_ =	shalt  }
0x5a: {  	_ =	shalt  }
0x5b: {  	_ =	shalt  }
0x5c: {  	_ =	shalt  }
0x5d: {  	_ =	shalt  }
0x5e: {  	_ =	shalt  }
0x5f: {  	_ =	shalt  }
0x60: {  	_ =	shalt  }
0x61: {  	_ =	shalt  }
0x62: {  	_ =	shalt  }
0x63: {  	_ =	shalt  }
0x64: {  	_ =	shalt  }
0x65: {  	_ =	shalt  }
0x66: {  	_ =	shalt  }
0x67: {  	_ =	shalt  }
0x68: {  	_ =	shalt  }
0x69: {  	_ =	shalt  }
0x6a: {  	_ =	shalt  }
0x6b: {  	_ =	shalt  }
0x6c: {  	_ =	shalt  }
0x6d: {  	_ =	shalt  }
0x6e: {  	_ =	shalt  }
0x6f: {  	_ =	shalt  }
0x70: {  	_ =	shalt  }
0x71: {  	_ =	shalt  }
0x72: {  	_ =	shalt  }
0x73: {  	_ =	shalt  }
0x74: {  	_ =	shalt  }
0x75: {  	_ =	shalt  }
0x76: {  	_ =	shalt  }
0x77: {  	_ =	shalt  }
0x78: {  	_ =	shalt  }
0x79: {  	_ =	shalt  }
0x7a: {  	_ =	shalt  }
0x7b: {  	_ =	shalt  }
0x7c: {  	_ =	shalt  }
0x7d: {  	_ =	shalt  }
0x7e: {  	_ =	shalt  }
0x7f: {  	_ =	shalt  }
0x80: {  	_ =	shalt  }
0x81: {  	_ =	shalt  }
0x82: {  	_ =	shalt  }
0x83: {  	_ =	shalt  }
0x84: {  	_ =	shalt  }
0x85: {  	_ =	shalt  }
0x86: {  	_ =	shalt  }
0x87: {  	_ =	shalt  }
.Lfunc_end0:
.L_simem_size_0:
called_computation_lowered:
.L_overlay_start_0:
0x88: {  	s2 =	sld [smem:$0x3FD9]  }
0x89: {  	s3 =	sld [smem:$0x3FFE];
	_ =	sdelay $0x1  }
0x8a: {  	s1 =	srdreg.scid  }
0x8b: {  	s0 =	sand.u32 $0x1, s1  }
0x8c: {  	s16 =	sshll.u32 s0, $0xA;
	s2 =	sadd.s32 s3, s2  }
0x8d: {  	s2 =	sadd.s32 s2, s16  }
0x8e: {  	[smem:$0x3FBB] =	sst s2  }
0x8f: {  	_ = 	snop  }
0x90: {  	(tm) =	ssettm $0x1  }
0x91: {  	s17 =	sld [smem:$0x3FFB];
	_ =	sdelay $0x3  }
0x92: {  	_ =	strace s17  }
0x93: {  	s2 =	sld [smem:$0x3FFC];
	_ =	sdelay $0x3  }
0x94: {  	_ =	strace s2  }
0x95: {  	s2 =	sld [smem:$0x3FFD];
	_ =	sdelay $0x3  }
0x96: {  	_ =	strace s2  }
0x97: {  	_ =	strace $0x8FFFFFFF  }
0x98: {  	s18 =	sld [smem:$0x3FDB];
	_ =	sdelay $0x1  }
0x99: {  	s19 =	simm.s32 $_scs_section_size  }
0x9a: {  	s4 =	simm.s32 $_size__tile_overlayer_lowered;
	s5 =	simm.s32 $_tile_overlayer_lowered  }
0x9b: {  	s22 =	simm.s32 $0x1BFF;
	s21 =	sshll.u32 s5, $0x1;
	s2 =	sadd.s32 s19, s18  }
0x9c: {  	s6 =	simm.s32 $0x0;
	s20 =	sshll.u32 s4, $0x1;
	s4 =	sadd.s32 s21, s2  }
0x9d: {  	[timem:s6], [sflag:s22] =	dma.local [hbm:s4], s20  }
0x9e: {  	_ =	swait.ge [sflag:s22], s20  }
0x9f: {  	s3 =	ssub.s32 $0x0, s20;
	[sflag:s22] =	ssyncset.done $0x0  }
0xa0: {  	[sflag:s22] =	ssyncadd.s32 s3;
	_ =	sdelay $0x1  }
0xa1: {  	s23 =	simm.s32 $0x1B8B  }
0xa2: {  	_ =	swait.ge [sflag:s23], $0x1  }
0xa3: {  	[sflag:s23] =	ssyncset.done $0x0  }
0xa4: {  	s25 =	simm.s32 $0x1B8E;
	s24 =	sld [smem:$0x3FFE];
	[sflag:s23] =	ssyncadd.s32 $0xFFFFFFFF  }
0xa5: {  	s26 =	simm.s32 $execute0_lowered;
	[smem:$0x3FD2] =	sst s25  }
0xa6: {  	s4 =	sshll.u32 s26, $0x1;
	_ =	strace $0x80000046;
	[dreg:$0x1] =	wrdreg $0xFFFFFFFF  }
0xa7: {  	s28 =	simm.s32 $_size_execute0_lowered;
	s2 =	sadd.s32 s2, s4;
	[dreg:$0x0] =	wrdreg $0x0  }
0xa8: {  	s4 =	sshll.u32 s28, $0x1;
	[dreg:$0x2] =	wrdreg s2  }
0xa9: {  	[dreg:$0x3] =	wrdreg s4  }
0xaa: {  	[dreg:$0x4] =	wrdreg $0xC0  }
0xab: {  	_ =	task [dreg:s6], $0x5FFFF  }
0xac: {  	[dreg:$0x1] =	wrdreg $0xFFFFFFFF  }
0xad: {  	[dreg:$0x0] =	wrdreg $0x60  }
0xae: {  	[dreg:$0x2] =	wrdreg s24  }
0xaf: {  	[dreg:$0x3] =	wrdreg $0xA  }
0xb0: {  	_ =	task.clear_ibuf [dreg:s6], $0x4FFFF;
	_ =	strace $0x90000046  }
0xb1: {  	s29 =	simm.s32 $0xA;
	_ =	strace $0x80000048  }
0xb2: {  	_ =	swait.ge [sflag:s29], $0x1  }
0xb3: {  	[sflag:s29] =	ssyncadd.s32 $0xFFFFFFFF  }
0xb4: {  	_ =	strace $0x90000048  }
0xb5: {  	_ =	sfence  }
0xb6: {  	s30 =	sld [smem:$0x0];
	_ =	sdelay $0x2  }
0xb7: {  	s31 =	sshll.u32 s1, $0xD;
	s1 =	sshrl.u32 s1, $0x2  }
0xb8: {  	s3 =	sand.u32 $0x4000, s31;
	s1 =	sadd.s32 s1, s30  }
0xb9: {  	s0 =	sor.u32 s3, s0;
	s1 =	sshll.u32 s1, $0x11  }
0xba: {  	s0 =	sor.u32 s1, s0  }
0xbb: {  	s0 =	sadd.s32 $0x8F2B, s0  }
0xbc: {  	[sflag:s0] =	ssyncadd.remote.s32 $0x1  }
0xbd: {  	_ =	sfence.sel $0xFFFF  }
0xbe: {  	[dreg:$0x0] =	wrdreg $0xFFFFFFFF;
	(pc) =	sbr.abs _section_cstart, $3  }
0xbf: {  	[dreg:$0x1] =	wrdreg $0xFFFFFFFF  }
0xc0: {  	_ =	task.clear_ibuf [dreg:s6], $0x2FFFF;
	_ =	strace $0x9FFFFFFF  }
0xc1: {  	(tm) =	ssettm $0x7FFFFFFF  }
tec
execute0_lowered:
.L_overlay_start_1:
0x0: {  	(tag) =	ssettag $0x1  }
0x1: {  	s5 =	rddreg [dreg:$0x0]  }
0x2: {  	s1 =	srdreg.scid;
	s0 =	rddreg [dreg:$0x1]  }
0x3: {  	s2 =	simm.s32 $0x0;
	s11 =	simm.s32 $0x190;
	s6 =	sand.u32 $0x1, s1  }
0x4: {  	s12 =	simm.s32 $0x0;
	s1 =	stileid.u32;
	s7 =	smul.u32 $0x13880, s6  }
0x5: {  	[smem:$0x7FF] =	sst s2;
	s3 =	sadd.s32 $0x5E00, s5;
	s8 =	smul.u32 $0x1388, s1  }
0x6: {  	s4 =	sadd.s32 $0x1BE00, s5;
	s9 =	smul.u32 $0xAFC80, s6;
	s6 =	ssub.s32 $0x2, s6  }
0x7: {  	_ =	strace $0x80000047;
	s10 =	smul.u32 $0xAFC8, s1;
	s30 =	sshrl.u32 s6, $0x1  }
0x8: {  	s7 =	sadd.s32 s8, s7;
	s29 =	sadd.s32 s9, s5;
	s6 =	ssub.s32 s6, s30  }
0x9: {  	s9 =	simm.s32 $0x1;
	s7 =	sshrl.u32 s7, $0x3;
	s8 =	sadd.s32 s10, s29  }
0xa: {  	s10 =	simm.s32 $0xC8;
	s31 =	sadd.s32 s7, s5;
	s5 =	smax.u32 s6, $0x1  }
0xb: {  	s6 =	sadd.s32 $0x3BE00, s8;
	s7 =	sadd.s32 $0x31E00, s31;
	s8 =	sadd.s32 $0x36E00, s31  }
.LBB2_1:
0xc: {  	s13 =	sadd.s32 $0x0, s8  }
0xd: {  	[tilespmem:s2], [sflag:$0x1] =	stream.linear.gather [hbm4b:s13+s2], $0xC8, $0x38;
	[tilespmem:$0x39D0] =	vst v63  }
0xe: {  	_ =	swait.ge [sflag:s9], $0xC8  }
0xf: {  	[sflag:s9] =	ssyncset.done $0x0  }
0x10: {  	s31 =	sadd.s32 $0x0, s7;
	[sflag:s9] =	ssyncadd.s32 $0xFFFFFF38  }
0x11: {  	[tilespmem:s10], [sflag:$0x1] =	stream.linear.gather [hbm4b:s31+s2], $0xC8, $0x38;
	[tilespmem:$0x39D0] =	vst v63  }
0x12: {  	_ =	swait.ge [sflag:s9], $0xC8  }
0x13: {  	[sflag:s9] =	ssyncset.done $0x0  }
0x14: {  	[sflag:s9] =	ssyncadd.s32 $0xFFFFFF38  }
0x15: {  	[tilespmem:s11], [sflag:$0x1] =	stream.indirect.gather [hbm4b:s3+s10], $0x48, s2, s10, $0xb8;
	[tilespmem:$0x39D0] =	vst v63  }
0x16: {  	_ =	swait.ge [sflag:s9], $0x3840  }
0x17: {  	[sflag:s9] =	ssyncset.done $0x0  }
0x18: {  	[sflag:s9] =	ssyncadd.s32 $0xFFFFC7C0  }
0x19: {  	[tilespmem:s11], [sflag:$0x1] =	stream.indirect.gather.add.bf16 [hbm:s4], $0x48, s10, s10, $0xb8;
	[tilespmem:$0x39D0] =	vst v63  }
0x1a: {  	_ =	swait.ge [sflag:s9], $0x3840  }
0x1b: {  	[sflag:s9] =	ssyncset.done $0x0  }
0x1c: {  	[sflag:s9] =	ssyncadd.s32 $0xFFFFC7C0  }
0x1d: {  	[hbm4b:s6+s2] =	stream.linear.scatter [tilespmem:s11], [sflag:$0x1], $0x3840, $0x38;
	[tilespmem:$0x39D0] =	vst v63  }
0x1e: {  	s14 =	simm.s32 $0x19;
	_ =	swait.ge [sflag:s9], $0x3840  }
0x1f: {  	s15 =	simm.s32 $0x32;
	s13 =	sadd.s32 $0x708, s6;
	[sflag:s9] =	ssyncset.done $0x0  }
.LBB2_2:
0x20: {  	s16 =	sadd.s32 s14, s8  }
0x21: {  	[sflag:s9] =	ssyncadd.s32 $0xFFFFC7C0;
	s17 =	smov.u32 s15;
	s18 =	sadd.s32 $0x19, s15  }
0x22: {  	[tilespmem:s2], [sflag:$0x1] =	stream.linear.gather [hbm4b:s16+s2], $0xC8, $0x38;
	[tilespmem:$0x39D0] =	vst v63  }
0x23: {  	p0 =	sne.s32 s15, $0x258;
	_ =	swait.ge [sflag:s9], $0xC8  }
0x24: {  	[sflag:s9] =	ssyncset.done $0x0  }
0x25: {  	s15 =	sadd.s32 s14, s7;
	s14 =	smov.u32 s17;
	[sflag:s9] =	ssyncadd.s32 $0xFFFFFF38  }
0x26: {  	[tilespmem:s10], [sflag:$0x1] =	stream.linear.gather [hbm4b:s15+s2], $0xC8, $0x38;
	[tilespmem:$0x39D0] =	vst v63  }
0x27: {  	_ =	swait.ge [sflag:s9], $0xC8  }
0x28: {  	[sflag:s9] =	ssyncset.done $0x0  }
0x29: {  	[sflag:s9] =	ssyncadd.s32 $0xFFFFFF38  }
0x2a: {  	[tilespmem:s11], [sflag:$0x1] =	stream.indirect.gather [hbm4b:s3+s10], $0x48, s2, s10, $0xb8;
	[tilespmem:$0x39D0] =	vst v63  }
0x2b: {  	_ =	swait.ge [sflag:s9], $0x3840  }
0x2c: {  	[sflag:s9] =	ssyncset.done $0x0  }
0x2d: {  	[sflag:s9] =	ssyncadd.s32 $0xFFFFC7C0  }
0x2e: {  	[tilespmem:s11], [sflag:$0x1] =	stream.indirect.gather.add.bf16 [hbm:s4], $0x48, s10, s10, $0xb8;
	[tilespmem:$0x39D0] =	vst v63  }
0x2f: {  	_ =	swait.ge [sflag:s9], $0x3840  }
.Ltmp0:
0x30: {  	[sflag:s9] =	ssyncset.done $0x0;
	(pc) =	sbr.rel @p0 .LBB2_2-.Ltmp0, $4  }
0x31: {  	[sflag:s9] =	ssyncadd.s32 $0xFFFFC7C0  }
0x32: {  	[hbm4b:s13+s2] =	stream.linear.scatter [tilespmem:s11], [sflag:$0x1], $0x3840, $0x38;
	[tilespmem:$0x39D0] =	vst v63  }
0x33: {  	_ =	swait.ge [sflag:s9], $0x3840  }
0x34: {  	s15 =	smov.u32 s18;
	s13 =	sadd.s32 $0x708, s13;
	[sflag:s9] =	ssyncset.done $0x0  }
0x35: {  	s15 =	sadd.s32 s14, s8;
	[sflag:s9] =	ssyncadd.s32 $0xFFFFC7C0  }
0x36: {  	[tilespmem:s2], [sflag:$0x1] =	stream.linear.gather [hbm4b:s15+s2], $0xC8, $0x38;
	[tilespmem:$0x39D0] =	vst v63  }
0x37: {  	_ =	swait.ge [sflag:s9], $0xC8  }
0x38: {  	[sflag:s9] =	ssyncset.done $0x0  }
0x39: {  	s31 =	sadd.s32 s14, s7;
	[sflag:s9] =	ssyncadd.s32 $0xFFFFFF38  }
0x3a: {  	[tilespmem:s10], [sflag:$0x1] =	stream.linear.gather [hbm4b:s31+s2], $0xC8, $0x38;
	[tilespmem:$0x39D0] =	vst v63  }
0x3b: {  	_ =	swait.ge [sflag:s9], $0xC8  }
0x3c: {  	[sflag:s9] =	ssyncset.done $0x0  }
0x3d: {  	[sflag:s9] =	ssyncadd.s32 $0xFFFFFF38  }
0x3e: {  	[tilespmem:s11], [sflag:$0x1] =	stream.indirect.gather [hbm4b:s3+s10], $0x48, s2, s10, $0xb8;
	[tilespmem:$0x39D0] =	vst v63  }
0x3f: {  	_ =	swait.ge [sflag:s9], $0x3840  }
0x40: {  	[sflag:s9] =	ssyncset.done $0x0  }
0x41: {  	[sflag:s9] =	ssyncadd.s32 $0xFFFFC7C0  }
0x42: {  	[tilespmem:s11], [sflag:$0x1] =	stream.indirect.gather.add.bf16 [hbm:s4], $0x48, s10, s10, $0xb8;
	[tilespmem:$0x39D0] =	vst v63  }
0x43: {  	s12 =	sadd.s32 $0x1, s12;
	_ =	swait.ge [sflag:s9], $0x3840  }
0x44: {  	p0 =	sne.s32 s12, s5;
	[sflag:s9] =	ssyncset.done $0x0  }
.Ltmp1:
0x45: {  	[sflag:s9] =	ssyncadd.s32 $0xFFFFC7C0;
	(pc) =	sbr.rel @p0 .LBB2_1-.Ltmp1, $4  }
0x46: {  	[hbm4b:s13+s2] =	stream.linear.scatter [tilespmem:s11], [sflag:$0x1], $0x3840, $0x38;
	[tilespmem:$0x39D0] =	vst v63  }
0x47: {  	_ =	swait.ge [sflag:s9], $0x3840  }
0x48: {  	[sflag:s9] =	ssyncset.done $0x0  }
0x49: {  	[sflag:s9] =	ssyncadd.s32 $0xFFFFC7C0  }
0x4a: {  	_ =	sfence.sel $0x180000  }
0x4b: {  	[bflag:$0x0] =	sbarrier.arrive $0xFFFF  }
0x4c: {  	p0 =	sne.s32 s1, $0x0;
	_ =	strace $0x90000047  }
0x4d: {  	s0 =	sadd.s32 @!p0 $0x100000, s0;
	[bflag:$0x2] =	sbarrier.arrive $0xFFFF  }
0x4e: {  	[sflag:s0] =	ssyncadd.tile.s32 @!p0 $0x1;
	_ =	shalt  }
.Lfunc_end2:
_tile_overlayer_lowered:
.L_overlay_start_2:
0x4f: {  	(tag) =	ssettag $0x2  }
0x50: {  	s0 =	rddreg [dreg:$0x0];
	s2 =	stileid.u32  }
0x51: {  	s1 =	rddreg [dreg:$0x1];
	p0 =	sne.s32 s2, $0x0  }
0x52: {  	s3 =	rddreg [dreg:$0x2];
	[bflag:$0x3] =	sbarrier.arrive $0xFFFF;
	s2 =	simm.s32 @!p0 $0x1C01  }
0x53: {  	[timem:s3], [sflag:s2] =	dma.local @!p0 [hbm:s0], s1  }
0x54: {  	s0 =	simm.s32 @!p0 $0x1  }
0x55: {  	_ =	swait.ge @!p0 [sflag:s0], s1  }
0x56: {  	s1 =	ssub.s32 @!p0 $0x0, s1;
	[sflag:s0] =	ssyncset.done @!p0 $0x0  }
0x57: {  	[sflag:s0] =	ssyncadd.s32 @!p0 s1  }
0x58: {  	[bflag:$0x3] =	sbarrier.arrive $0xFFFF  }
0x59: {  	_ =	shalt  }

// kernel: kernel.13.cloned.1.call-start
scs
__scs_entry_jumppad:
0x0: {  	(pc) =	sbr.rel $0x88, $3  }
0x1: {  	(tag) =	ssettag $0x0;
	lr =	simm.s32 $0x1  }
0x2: {  	[smem:$0x3F94] =	sst lr;
	_ =	strace $0xD0000000  }
0x3: {  	_ = 	snop  }
0x4: {  	_ = 	snop  }
0x5: {  	_ = 	snop  }
0x6: {  	_ = 	snop  }
0x7: {  	_ = 	snop  }
__scs_overlays_trampoline_lowered:
0x8: {  	[smem:$0x3FA3] =	sst s0  }
0x9: {  	[smem:$0x3FA4] =	sst s1  }
0xa: {  	[smem:$0x3FA5] =	sst s2  }
0xb: {  	[smem:$0x3FA6] =	sst s3  }
0xc: {  	[smem:$0x3FA7] =	sst s4  }
0xd: {  	[smem:$0x3FA8] =	sst s5  }
0xe: {  	[smem:$0x3FA9] =	sst s6  }
0xf: {  	[smem:$0x3FAA] =	sst s7  }
0x10: {  	[smem:$0x3FAB] =	sst s8  }
0x11: {  	[smem:$0x3FAC] =	sst s9;
	s0 =	simm.s32 @!p0 $0x0  }
0x12: {  	s1 =	sld [smem:$0x3F92];
	s0 =	simm.s32 @p0 $0x1  }
0x13: {  	[smem:$0x3FAD] =	sst s0;
	s0 =	simm.s32 @!p1 $0x0  }
0x14: {  	s2 =	sld [smem:$0x3F91];
	s0 =	simm.s32 @p1 $0x1  }
0x15: {  	[smem:$0x3FAE] =	sst s0;
	s0 =	simm.s32 @!p2 $0x0  }
0x16: {  	s3 =	sld [smem:$0x3FDB];
	s0 =	simm.s32 @p2 $0x1  }
0x17: {  	s4 =	simm.s32 $0x1BF5;
	[smem:$0x3FB0] =	sst s0  }
0x18: {  	s0 =	sld [smem:$0x3F93];
	_ =	swait.ge [sflag:s4], $0x0  }
0x19: {  	s7 =	sld [smem:$0x3F94]  }
0x1a: {  	s8 =	sadd.s32 $0xFFFFE003, lr  }
0x1b: {  	s9 =	sadd.s32 $0xFFFFFEF7, lr;
	s5 =	simm.s32 $0xFFFFFFFF;
	p2 =	slt.u32 s8, $0xFFFFF086  }
0x1c: {  	p1 =	slt.u32 s9, $0xF7A;
	s5 =	simm.s32 @!p2 $0x0  }
0x1d: {  	s5 =	simm.s32 @p1 $0x1;
	p0 =	seq.s32 s7, s2  }
0x1e: {  	s7 =	smul.u32 @!p0 $0xF7A, s2;
	p2 =	seq.s32 @!p0 s5, $0x0  }
0x1f: {  	s9 =	smul.u32 $0xF7A, s1;
	s8 =	simm.s32 @!p0 $0x1BF5;
	p2 =	por !p2, p0  }
0x20: {  	[sflag:s8] =	ssyncset.s32 @!p0 $0xFFFFF086;
	s6 =	sadd.s32 @!p0 s3, s7;
	s7 =	simm.s32 @!p0 $0x108  }
0x21: {  	s3 =	sadd.s32 s3, s9;
	s6 =	sadd.s32 @!p0 $0x88, s6;
	s7 =	simm.s32 @p2 $0x1082  }
0x22: {  	[simem:s7], [sflag:s8] =	dma.local @!p0 [hbm:s6], $0xF7A  }
0x23: {  	s9 =	sor.u32 $0xD0000000, s2;
	s6 =	simm.s32 $0x108;
	_ =	swait.ge @!p0 [sflag:s8], $0x0  }
0x24: {  	s3 =	sadd.s32 $0x88, s3;
	s6 =	simm.s32 @!p1 $0x1082;
	[sflag:s4] =	ssyncset.s32 $0xFFFFF086  }
0x25: {  	[simem:s6], [sflag:s4] =	dma.local [hbm:s3], $0xF7A  }
0x26: {  	[smem:$0x3F94] =	sst s1;
	(tag) =	ssettag s2;
	_ =	strace s9  }
0x27: {  	s1 =	sld [smem:$0x3FA4]  }
0x28: {  	s2 =	sld [smem:$0x3FA5]  }
0x29: {  	s4 =	sld [smem:$0x3FA7]  }
0x2a: {  	p0 =	seq.s32 s5, $0x0;
	s5 =	sld [smem:$0x3FA8]  }
0x2b: {  	s6 =	sld [smem:$0x3FA9]  }
0x2c: {  	s7 =	sld [smem:$0x3FAA]  }
0x2d: {  	s3 =	simm.s32 $0x108;
	s8 =	sld [smem:$0x3FAB]  }
0x2e: {  	s3 =	simm.s32 @!p0 $0x1082;
	s9 =	sld [smem:$0x3FAC]  }
0x2f: {  	lr =	sadd.s32 s0, s3;
	s0 =	sld [smem:$0x3FA3]  }
0x30: {  	s3 =	sld [smem:$0x3FA6]  }
0x31: {  	[smem:$0x3FAF] =	sst s10  }
0x32: {  	s10 =	sld [smem:$0x3FAD];
	_ =	sdelay $0x3  }
0x33: {  	p0 =	seq.s32 s10, $0x1;
	s10 =	sld [smem:$0x3FAF];
	_ =	sdelay $0x3  }
0x34: {  	[smem:$0x3FAF] =	sst s10  }
0x35: {  	s10 =	sld [smem:$0x3FAE];
	_ =	sdelay $0x3  }
0x36: {  	p1 =	seq.s32 s10, $0x1;
	s10 =	sld [smem:$0x3FAF];
	_ =	sdelay $0x3  }
0x37: {  	[smem:$0x3FAF] =	sst s10  }
0x38: {  	s10 =	sld [smem:$0x3FB0]  }
0x39: {  	_ = 	snop;
	(pc) =	sbr.ind lr, $3  }
0x3a: {  	_ = 	snop  }
0x3b: {  	_ = 	snop  }
0x3c: {  	p2 =	seq.s32 s10, $0x1;
	s10 =	sld [smem:$0x3FAF]  }
0x3d: {  	_ =	shalt  }
0x3e: {  	_ =	shalt  }
0x3f: {  	_ =	shalt  }
0x40: {  	_ =	shalt  }
0x41: {  	_ =	shalt  }
0x42: {  	_ =	shalt  }
0x43: {  	_ =	shalt  }
0x44: {  	_ =	shalt  }
0x45: {  	_ =	shalt  }
0x46: {  	_ =	shalt  }
0x47: {  	_ =	shalt  }
0x48: {  	_ =	shalt  }
0x49: {  	_ =	shalt  }
0x4a: {  	_ =	shalt  }
0x4b: {  	_ =	shalt  }
0x4c: {  	_ =	shalt  }
0x4d: {  	_ =	shalt  }
0x4e: {  	_ =	shalt  }
0x4f: {  	_ =	shalt  }
0x50: {  	_ =	shalt  }
0x51: {  	_ =	shalt  }
0x52: {  	_ =	shalt  }
0x53: {  	_ =	shalt  }
0x54: {  	_ =	shalt  }
0x55: {  	_ =	shalt  }
0x56: {  	_ =	shalt  }
0x57: {  	_ =	shalt  }
0x58: {  	_ =	shalt  }
0x59: {  	_ =	shalt  }
0x5a: {  	_ =	shalt  }
0x5b: {  	_ =	shalt  }
0x5c: {  	_ =	shalt  }
0x5d: {  	_ =	shalt  }
0x5e: {  	_ =	shalt  }
0x5f: {  	_ =	shalt  }
0x60: {  	_ =	shalt  }
0x61: {  	_ =	shalt  }
0x62: {  	_ =	shalt  }
0x63: {  	_ =	shalt  }
0x64: {  	_ =	shalt  }
0x65: {  	_ =	shalt  }
0x66: {  	_ =	shalt  }
0x67: {  	_ =	shalt  }
0x68: {  	_ =	shalt  }
0x69: {  	_ =	shalt  }
0x6a: {  	_ =	shalt  }
0x6b: {  	_ =	shalt  }
0x6c: {  	_ =	shalt  }
0x6d: {  	_ =	shalt  }
0x6e: {  	_ =	shalt  }
0x6f: {  	_ =	shalt  }
0x70: {  	_ =	shalt  }
0x71: {  	_ =	shalt  }
0x72: {  	_ =	shalt  }
0x73: {  	_ =	shalt  }
0x74: {  	_ =	shalt  }
0x75: {  	_ =	shalt  }
0x76: {  	_ =	shalt  }
0x77: {  	_ =	shalt  }
0x78: {  	_ =	shalt  }
0x79: {  	_ =	shalt  }
0x7a: {  	_ =	shalt  }
0x7b: {  	_ =	shalt  }
0x7c: {  	_ =	shalt  }
0x7d: {  	_ =	shalt  }
0x7e: {  	_ =	shalt  }
0x7f: {  	_ =	shalt  }
0x80: {  	_ =	shalt  }
0x81: {  	_ =	shalt  }
0x82: {  	_ =	shalt  }
0x83: {  	_ =	shalt  }
0x84: {  	_ =	shalt  }
0x85: {  	_ =	shalt  }
0x86: {  	_ =	shalt  }
0x87: {  	_ =	shalt  }
.Lfunc_end0:
.L_simem_size_0:
called_computation.1_lowered:
.L_overlay_start_0:
0x88: {  	s2 =	sld [smem:$0x3FD9]  }
0x89: {  	s3 =	sld [smem:$0x3FFE];
	_ =	sdelay $0x1  }
0x8a: {  	s1 =	srdreg.scid  }
0x8b: {  	s0 =	sand.u32 $0x1, s1  }
0x8c: {  	s17 =	sshll.u32 s0, $0xA;
	s2 =	sadd.s32 s3, s2  }
0x8d: {  	s2 =	sadd.s32 s2, s17  }
0x8e: {  	[smem:$0x3FBB] =	sst s2  }
0x8f: {  	_ = 	snop  }
0x90: {  	(tm) =	ssettm $0x1  }
0x91: {  	s18 =	sld [smem:$0x3FFB];
	_ =	sdelay $0x3  }
0x92: {  	_ =	strace s18  }
0x93: {  	s2 =	sld [smem:$0x3FFC];
	_ =	sdelay $0x3  }
0x94: {  	_ =	strace s2  }
0x95: {  	s2 =	sld [smem:$0x3FFD];
	_ =	sdelay $0x3  }
0x96: {  	_ =	strace s2  }
0x97: {  	_ =	strace $0x8FFFFFFF  }
0x98: {  	s19 =	sld [smem:$0x3FDB];
	_ =	sdelay $0x1  }
0x99: {  	s20 =	simm.s32 $_scs_section_size  }
0x9a: {  	s4 =	simm.s32 $_size__tile_overlayer_lowered;
	s5 =	simm.s32 $_tile_overlayer_lowered  }
0x9b: {  	s6 =	simm.s32 $0x1BFF;
	s21 =	sshll.u32 s5, $0x1;
	s3 =	sadd.s32 s20, s19  }
0x9c: {  	s22 =	simm.s32 $0x0;
	s4 =	sshll.u32 s4, $0x1;
	s5 =	sadd.s32 s21, s3  }
0x9d: {  	[timem:s22], [sflag:s6] =	dma.local [hbm:s5], s4  }
0x9e: {  	_ =	swait.ge [sflag:s6], s4  }
0x9f: {  	s4 =	ssub.s32 $0x0, s4;
	[sflag:s6] =	ssyncset.done $0x0  }
0xa0: {  	[sflag:s6] =	ssyncadd.s32 s4;
	_ =	sdelay $0x1  }
0xa1: {  	s23 =	simm.s32 $0x1B8B  }
0xa2: {  	_ =	swait.ge [sflag:s23], $0x1  }
0xa3: {  	[sflag:s23] =	ssyncset.done $0x0  }
0xa4: {  	[sflag:s23] =	ssyncadd.s32 $0xFFFFFFFF  }
0xa5: {  	s4 =	sld [smem:$0x0]  }
0xa6: {  	s5 =	sand.u32 $0xFFFFFFFE, s1  }
0xa7: {  	p0 =	sne.s32 s1, s5  }
0xa8: {  	s5 =	sshll.u32 @p0 s5, $0xE  }
0xa9: {  	s5 =	sadd.s32 @p0 $0x11B8D, s5;
	s6 =	sshll.u32 @p0 s4, $0x11  }
0xaa: {  	s5 =	sor.u32 @p0 s6, s5  }
0xab: {  	[sflag:s5] =	ssyncadd.remote.s32 @p0 $0x1;
	_ =	sdelay $0x1  }
0xac: {  	s5 =	simm.s32 @p0 $0x1B8D  }
0xad: {  	_ =	swait.eq @p0 [sflag:s5], $0x1  }
0xae: {  	[sflag:s5] =	ssyncadd.s32 @p0 $0xFFFFFFFF  }
0xaf: {  	s6 =	sshll.u32 @!p0 s1, $0xE  }
0xb0: {  	s6 =	sor.u32 @!p0 $0x4000, s6;
	s5 =	simm.s32 @!p0 $0x1B8D  }
0xb1: {  	s4 =	sshll.u32 @!p0 s4, $0x11;
	s6 =	sadd.s32 @!p0 $0x11B8D, s6;
	_ =	swait.eq @!p0 [sflag:s5], $0x1  }
0xb2: {  	s4 =	sor.u32 @!p0 s4, s6;
	[sflag:s5] =	ssyncadd.s32 @!p0 $0xFFFFFFFF  }
0xb3: {  	s25 =	simm.s32 $0x1B8E;
	s24 =	sld [smem:$0x3FFE];
	[sflag:s4] =	ssyncadd.remote.s32 @!p0 $0x1  }
0xb4: {  	s26 =	simm.s32 $execute0_lowered;
	[smem:$0x3FD2] =	sst s25  }
0xb5: {  	s5 =	sshll.u32 s26, $0x1;
	_ =	strace $0x80000049;
	[dreg:$0x1] =	wrdreg $0xFFFFFFFF  }
0xb6: {  	s28 =	simm.s32 $_size_execute0_lowered;
	s3 =	sadd.s32 s3, s5;
	[dreg:$0x0] =	wrdreg $0x0  }
0xb7: {  	s5 =	sshll.u32 s28, $0x1;
	[dreg:$0x2] =	wrdreg s3  }
0xb8: {  	[dreg:$0x3] =	wrdreg s5  }
0xb9: {  	[dreg:$0x4] =	wrdreg $0xC0  }
0xba: {  	_ =	task [dreg:s22], $0x5FFFF  }
0xbb: {  	[dreg:$0x1] =	wrdreg $0xFFFFFFFF  }
0xbc: {  	[dreg:$0x0] =	wrdreg $0x60  }
0xbd: {  	[dreg:$0x2] =	wrdreg s24  }
0xbe: {  	[dreg:$0x3] =	wrdreg $0x9  }
0xbf: {  	_ =	task.clear_ibuf [dreg:s22], $0x4FFFF;
	_ =	strace $0x90000049  }
0xc0: {  	s29 =	simm.s32 $0x9;
	_ =	strace $0x8000004B  }
0xc1: {  	_ =	swait.ge [sflag:s29], $0x1  }
0xc2: {  	[sflag:s29] =	ssyncadd.s32 $0xFFFFFFFF  }
0xc3: {  	_ =	strace $0x9000004B  }
0xc4: {  	_ =	sfence  }
0xc5: {  	s30 =	sld [smem:$0x0];
	_ =	sdelay $0x2  }
0xc6: {  	s31 =	sshll.u32 s1, $0xD;
	s1 =	sshrl.u32 s1, $0x2  }
0xc7: {  	s4 =	sand.u32 $0x4000, s31;
	s1 =	sadd.s32 s1, s30  }
0xc8: {  	s0 =	sor.u32 s4, s0;
	s1 =	sshll.u32 s1, $0x11  }
0xc9: {  	s0 =	sor.u32 s1, s0  }
0xca: {  	s0 =	sadd.s32 $0x8F2B, s0  }
0xcb: {  	[sflag:s0] =	ssyncadd.remote.s32 $0x1  }
0xcc: {  	_ =	sfence.sel $0xFFFF  }
0xcd: {  	[dreg:$0x0] =	wrdreg $0xFFFFFFFF;
	(pc) =	sbr.abs _section_cstart, $3  }
0xce: {  	[dreg:$0x1] =	wrdreg $0xFFFFFFFF  }
0xcf: {  	_ =	task.clear_ibuf [dreg:s22], $0x2FFFF;
	_ =	strace $0x9FFFFFFF  }
0xd0: {  	(tm) =	ssettm $0x7FFFFFFF  }
0xd1: {  	_ =	shalt  }
tec
execute0_lowered:
.L_overlay_start_1:
0x0: {  	(tag) =	ssettag $0x1  }
0x1: {  	s5 =	rddreg [dreg:$0x0]  }
0x2: {  	s1 =	srdreg.scid;
	s0 =	rddreg [dreg:$0x1]  }
0x3: {  	s2 =	simm.s32 $0x0;
	s11 =	simm.s32 $0x190;
	s6 =	sand.u32 $0x1, s1  }
0x4: {  	s12 =	simm.s32 $0x0;
	s1 =	stileid.u32;
	s7 =	smul.u32 $0x13880, s6  }
0x5: {  	[smem:$0x7FF] =	sst s2;
	s3 =	sadd.s32 $0x5E00, s5;
	s8 =	smul.u32 $0x1388, s1  }
0x6: {  	s4 =	sadd.s32 $0x1BE00, s5;
	s9 =	smul.u32 $0xAFC80, s6;
	s6 =	ssub.s32 $0x2, s6  }
0x7: {  	_ =	strace $0x8000004A;
	s10 =	smul.u32 $0xAFC8, s1;
	s30 =	sshrl.u32 s6, $0x1  }
0x8: {  	s7 =	sadd.s32 s8, s7;
	s29 =	sadd.s32 s9, s5;
	s6 =	ssub.s32 s6, s30  }
0x9: {  	s7 =	sshrl.u32 s7, $0x3;
	s8 =	sadd.s32 s10, s29;
	s10 =	simm.s32 $0xC8  }
0xa: {  	s31 =	sadd.s32 s7, s5;
	s5 =	smax.u32 s6, $0x1;
	s6 =	sadd.s32 $0x1A5800, s8  }
0xb: {  	s9 =	simm.s32 $0x1;
	s7 =	sadd.s32 $0x1A0800, s31;
	s8 =	sadd.s32 $0x19B800, s31  }
.LBB2_1:
0xc: {  	s13 =	sadd.s32 $0x0, s8  }
0xd: {  	[tilespmem:s2], [sflag:$0x1] =	stream.linear.gather [hbm4b:s13+s2], $0xC8, $0x38;
	[tilespmem:$0x39D0] =	vst v63  }
0xe: {  	_ =	swait.ge [sflag:s9], $0xC8  }
0xf: {  	[sflag:s9] =	ssyncset.done $0x0  }
0x10: {  	s31 =	sadd.s32 $0x0, s7;
	[sflag:s9] =	ssyncadd.s32 $0xFFFFFF38  }
0x11: {  	[tilespmem:s10], [sflag:$0x1] =	stream.linear.gather [hbm4b:s31+s2], $0xC8, $0x38;
	[tilespmem:$0x39D0] =	vst v63  }
0x12: {  	_ =	swait.ge [sflag:s9], $0xC8  }
0x13: {  	[sflag:s9] =	ssyncset.done $0x0  }
0x14: {  	[sflag:s9] =	ssyncadd.s32 $0xFFFFFF38  }
0x15: {  	[tilespmem:s11], [sflag:$0x1] =	stream.indirect.gather [hbm4b:s3+s10], $0x48, s2, s10, $0xb8;
	[tilespmem:$0x39D0] =	vst v63  }
0x16: {  	_ =	swait.ge [sflag:s9], $0x3840  }
0x17: {  	[sflag:s9] =	ssyncset.done $0x0  }
0x18: {  	[sflag:s9] =	ssyncadd.s32 $0xFFFFC7C0  }
0x19: {  	[tilespmem:s11], [sflag:$0x1] =	stream.indirect.gather.add.bf16 [hbm:s4], $0x48, s10, s10, $0xb8;
	[tilespmem:$0x39D0] =	vst v63  }
0x1a: {  	_ =	swait.ge [sflag:s9], $0x3840  }
0x1b: {  	[sflag:s9] =	ssyncset.done $0x0  }
0x1c: {  	[sflag:s9] =	ssyncadd.s32 $0xFFFFC7C0  }
0x1d: {  	[hbm4b:s6+s2] =	stream.linear.scatter [tilespmem:s11], [sflag:$0x1], $0x3840, $0x38;
	[tilespmem:$0x39D0] =	vst v63  }
0x1e: {  	s14 =	simm.s32 $0x19;
	_ =	swait.ge [sflag:s9], $0x3840  }
0x1f: {  	s15 =	simm.s32 $0x32;
	s13 =	sadd.s32 $0x708, s6;
	[sflag:s9] =	ssyncset.done $0x0  }
.LBB2_2:
0x20: {  	s16 =	sadd.s32 s14, s8  }
0x21: {  	[sflag:s9] =	ssyncadd.s32 $0xFFFFC7C0;
	s17 =	smov.u32 s15;
	s18 =	sadd.s32 $0x19, s15  }
0x22: {  	[tilespmem:s2], [sflag:$0x1] =	stream.linear.gather [hbm4b:s16+s2], $0xC8, $0x38;
	[tilespmem:$0x39D0] =	vst v63  }
0x23: {  	p0 =	sne.s32 s15, $0x258;
	_ =	swait.ge [sflag:s9], $0xC8  }
0x24: {  	[sflag:s9] =	ssyncset.done $0x0  }
0x25: {  	s15 =	sadd.s32 s14, s7;
	s14 =	smov.u32 s17;
	[sflag:s9] =	ssyncadd.s32 $0xFFFFFF38  }
0x26: {  	[tilespmem:s10], [sflag:$0x1] =	stream.linear.gather [hbm4b:s15+s2], $0xC8, $0x38;
	[tilespmem:$0x39D0] =	vst v63  }
0x27: {  	_ =	swait.ge [sflag:s9], $0xC8  }
0x28: {  	[sflag:s9] =	ssyncset.done $0x0  }
0x29: {  	[sflag:s9] =	ssyncadd.s32 $0xFFFFFF38  }
0x2a: {  	[tilespmem:s11], [sflag:$0x1] =	stream.indirect.gather [hbm4b:s3+s10], $0x48, s2, s10, $0xb8;
	[tilespmem:$0x39D0] =	vst v63  }
0x2b: {  	_ =	swait.ge [sflag:s9], $0x3840  }
0x2c: {  	[sflag:s9] =	ssyncset.done $0x0  }
0x2d: {  	[sflag:s9] =	ssyncadd.s32 $0xFFFFC7C0  }
0x2e: {  	[tilespmem:s11], [sflag:$0x1] =	stream.indirect.gather.add.bf16 [hbm:s4], $0x48, s10, s10, $0xb8;
	[tilespmem:$0x39D0] =	vst v63  }
0x2f: {  	_ =	swait.ge [sflag:s9], $0x3840  }
.Ltmp0:
0x30: {  	[sflag:s9] =	ssyncset.done $0x0;
	(pc) =	sbr.rel @p0 .LBB2_2-.Ltmp0, $4  }
0x31: {  	[sflag:s9] =	ssyncadd.s32 $0xFFFFC7C0  }
0x32: {  	[hbm4b:s13+s2] =	stream.linear.scatter [tilespmem:s11], [sflag:$0x1], $0x3840, $0x38;
	[tilespmem:$0x39D0] =	vst v63  }
0x33: {  	_ =	swait.ge [sflag:s9], $0x3840  }
0x34: {  	s15 =	smov.u32 s18;
	s13 =	sadd.s32 $0x708, s13;
	[sflag:s9] =	ssyncset.done $0x0  }
0x35: {  	s15 =	sadd.s32 s14, s8;
	[sflag:s9] =	ssyncadd.s32 $0xFFFFC7C0  }
0x36: {  	[tilespmem:s2], [sflag:$0x1] =	stream.linear.gather [hbm4b:s15+s2], $0xC8, $0x38;
	[tilespmem:$0x39D0] =	vst v63  }
0x37: {  	_ =	swait.ge [sflag:s9], $0xC8  }
0x38: {  	[sflag:s9] =	ssyncset.done $0x0  }
0x39: {  	s31 =	sadd.s32 s14, s7;
	[sflag:s9] =	ssyncadd.s32 $0xFFFFFF38  }
0x3a: {  	[tilespmem:s10], [sflag:$0x1] =	stream.linear.gather [hbm4b:s31+s2], $0xC8, $0x38;
	[tilespmem:$0x39D0] =	vst v63  }
0x3b: {  	_ =	swait.ge [sflag:s9], $0xC8  }
0x3c: {  	[sflag:s9] =	ssyncset.done $0x0  }
0x3d: {  	[sflag:s9] =	ssyncadd.s32 $0xFFFFFF38  }
0x3e: {  	[tilespmem:s11], [sflag:$0x1] =	stream.indirect.gather [hbm4b:s3+s10], $0x48, s2, s10, $0xb8;
	[tilespmem:$0x39D0] =	vst v63  }
0x3f: {  	_ =	swait.ge [sflag:s9], $0x3840  }
0x40: {  	[sflag:s9] =	ssyncset.done $0x0  }
0x41: {  	[sflag:s9] =	ssyncadd.s32 $0xFFFFC7C0  }
0x42: {  	[tilespmem:s11], [sflag:$0x1] =	stream.indirect.gather.add.bf16 [hbm:s4], $0x48, s10, s10, $0xb8;
	[tilespmem:$0x39D0] =	vst v63  }
0x43: {  	s12 =	sadd.s32 $0x1, s12;
	_ =	swait.ge [sflag:s9], $0x3840  }
0x44: {  	p0 =	sne.s32 s12, s5;
	[sflag:s9] =	ssyncset.done $0x0  }
.Ltmp1:
0x45: {  	[sflag:s9] =	ssyncadd.s32 $0xFFFFC7C0;
	(pc) =	sbr.rel @p0 .LBB2_1-.Ltmp1, $4  }
0x46: {  	[hbm4b:s13+s2] =	stream.linear.scatter [tilespmem:s11], [sflag:$0x1], $0x3840, $0x38;
	[tilespmem:$0x39D0] =	vst v63  }
0x47: {  	_ =	swait.ge [sflag:s9], $0x3840  }
0x48: {  	[sflag:s9] =	ssyncset.done $0x0  }
0x49: {  	[sflag:s9] =	ssyncadd.s32 $0xFFFFC7C0  }
0x4a: {  	_ =	sfence.sel $0x180000  }
0x4b: {  	[bflag:$0x0] =	sbarrier.arrive $0xFFFF  }
0x4c: {  	p0 =	sne.s32 s1, $0x0;
	_ =	strace $0x9000004A  }
0x4d: {  	s0 =	sadd.s32 @!p0 $0x100000, s0;
	[bflag:$0x2] =	sbarrier.arrive $0xFFFF  }
0x4e: {  	[sflag:s0] =	ssyncadd.tile.s32 @!p0 $0x1;
	_ =	shalt  }
.Lfunc_end2:
_tile_overlayer_lowered:
.L_overlay_start_2:
0x4f: {  	(tag) =	ssettag $0x2  }
0x50: {  	s0 =	rddreg [dreg:$0x0];
	s2 =	stileid.u32  }
0x51: {  	s1 =	rddreg [dreg:$0x1];
	p0 =	sne.s32 s2, $0x0  }
0x52: {  	s3 =	rddreg [dreg:$0x2];
	[bflag:$0x3] =	sbarrier.arrive $0xFFFF;
	s2 =	simm.s32 @!p0 $0x1C01  }
0x53: {  	[timem:s3], [sflag:s2] =	dma.local @!p0 [hbm:s0], s1  }
0x54: {  	s0 =	simm.s32 @!p0 $0x1  }
0x55: {  	_ =	swait.ge @!p0 [sflag:s0], s1  }
0x56: {  	s1 =	ssub.s32 @!p0 $0x0, s1;
	[sflag:s0] =	ssyncset.done @!p0 $0x0  }
0x57: {  	[sflag:s0] =	ssyncadd.s32 @!p0 s1  }
0x58: {  	[bflag:$0x3] =	sbarrier.arrive $0xFFFF  }
0x59: {  	_ =	shalt  }

// kernel: kernel.16.cloned.1.call-start
scs
__scs_entry_jumppad:
0x0: {  	(pc) =	sbr.rel $0x88, $3  }
0x1: {  	(tag) =	ssettag $0x0;
	lr =	simm.s32 $0x1  }
0x2: {  	[smem:$0x3F94] =	sst lr;
	_ =	strace $0xD0000000  }
0x3: {  	_ = 	snop  }
0x4: {  	_ = 	snop  }
0x5: {  	_ = 	snop  }
0x6: {  	_ = 	snop  }
0x7: {  	_ = 	snop  }
__scs_overlays_trampoline_lowered:
0x8: {  	[smem:$0x3FA3] =	sst s0  }
0x9: {  	[smem:$0x3FA4] =	sst s1  }
0xa: {  	[smem:$0x3FA5] =	sst s2  }
0xb: {  	[smem:$0x3FA6] =	sst s3  }
0xc: {  	[smem:$0x3FA7] =	sst s4  }
0xd: {  	[smem:$0x3FA8] =	sst s5  }
0xe: {  	[smem:$0x3FA9] =	sst s6  }
0xf: {  	[smem:$0x3FAA] =	sst s7  }
0x10: {  	[smem:$0x3FAB] =	sst s8  }
0x11: {  	[smem:$0x3FAC] =	sst s9;
	s0 =	simm.s32 @!p0 $0x0  }
0x12: {  	s1 =	sld [smem:$0x3F92];
	s0 =	simm.s32 @p0 $0x1  }
0x13: {  	[smem:$0x3FAD] =	sst s0;
	s0 =	simm.s32 @!p1 $0x0  }
0x14: {  	s2 =	sld [smem:$0x3F91];
	s0 =	simm.s32 @p1 $0x1  }
0x15: {  	[smem:$0x3FAE] =	sst s0;
	s0 =	simm.s32 @!p2 $0x0  }
0x16: {  	s3 =	sld [smem:$0x3FDB];
	s0 =	simm.s32 @p2 $0x1  }
0x17: {  	s4 =	simm.s32 $0x1BF5;
	[smem:$0x3FB0] =	sst s0  }
0x18: {  	s0 =	sld [smem:$0x3F93];
	_ =	swait.ge [sflag:s4], $0x0  }
0x19: {  	s7 =	sld [smem:$0x3F94]  }
0x1a: {  	s8 =	sadd.s32 $0xFFFFE003, lr  }
0x1b: {  	s9 =	sadd.s32 $0xFFFFFEF7, lr;
	s5 =	simm.s32 $0xFFFFFFFF;
	p2 =	slt.u32 s8, $0xFFFFF086  }
0x1c: {  	p1 =	slt.u32 s9, $0xF7A;
	s5 =	simm.s32 @!p2 $0x0  }
0x1d: {  	s5 =	simm.s32 @p1 $0x1;
	p0 =	seq.s32 s7, s2  }
0x1e: {  	s7 =	smul.u32 @!p0 $0xF7A, s2;
	p2 =	seq.s32 @!p0 s5, $0x0  }
0x1f: {  	s9 =	smul.u32 $0xF7A, s1;
	s8 =	simm.s32 @!p0 $0x1BF5;
	p2 =	por !p2, p0  }
0x20: {  	[sflag:s8] =	ssyncset.s32 @!p0 $0xFFFFF086;
	s6 =	sadd.s32 @!p0 s3, s7;
	s7 =	simm.s32 @!p0 $0x108  }
0x21: {  	s3 =	sadd.s32 s3, s9;
	s6 =	sadd.s32 @!p0 $0x88, s6;
	s7 =	simm.s32 @p2 $0x1082  }
0x22: {  	[simem:s7], [sflag:s8] =	dma.local @!p0 [hbm:s6], $0xF7A  }
0x23: {  	s9 =	sor.u32 $0xD0000000, s2;
	s6 =	simm.s32 $0x108;
	_ =	swait.ge @!p0 [sflag:s8], $0x0  }
0x24: {  	s3 =	sadd.s32 $0x88, s3;
	s6 =	simm.s32 @!p1 $0x1082;
	[sflag:s4] =	ssyncset.s32 $0xFFFFF086  }
0x25: {  	[simem:s6], [sflag:s4] =	dma.local [hbm:s3], $0xF7A  }
0x26: {  	[smem:$0x3F94] =	sst s1;
	(tag) =	ssettag s2;
	_ =	strace s9  }
0x27: {  	s1 =	sld [smem:$0x3FA4]  }
0x28: {  	s2 =	sld [smem:$0x3FA5]  }
0x29: {  	s4 =	sld [smem:$0x3FA7]  }
0x2a: {  	p0 =	seq.s32 s5, $0x0;
	s5 =	sld [smem:$0x3FA8]  }
0x2b: {  	s6 =	sld [smem:$0x3FA9]  }
0x2c: {  	s7 =	sld [smem:$0x3FAA]  }
0x2d: {  	s3 =	simm.s32 $0x108;
	s8 =	sld [smem:$0x3FAB]  }
0x2e: {  	s3 =	simm.s32 @!p0 $0x1082;
	s9 =	sld [smem:$0x3FAC]  }
0x2f: {  	lr =	sadd.s32 s0, s3;
	s0 =	sld [smem:$0x3FA3]  }
0x30: {  	s3 =	sld [smem:$0x3FA6]  }
0x31: {  	[smem:$0x3FAF] =	sst s10  }
0x32: {  	s10 =	sld [smem:$0x3FAD];
	_ =	sdelay $0x3  }
0x33: {  	p0 =	seq.s32 s10, $0x1;
	s10 =	sld [smem:$0x3FAF];
	_ =	sdelay $0x3  }
0x34: {  	[smem:$0x3FAF] =	sst s10  }
0x35: {  	s10 =	sld [smem:$0x3FAE];
	_ =	sdelay $0x3  }
0x36: {  	p1 =	seq.s32 s10, $0x1;
	s10 =	sld [smem:$0x3FAF];
	_ =	sdelay $0x3  }
0x37: {  	[smem:$0x3FAF] =	sst s10  }
0x38: {  	s10 =	sld [smem:$0x3FB0]  }
0x39: {  	_ = 	snop;
	(pc) =	sbr.ind lr, $3  }
0x3a: {  	_ = 	snop  }
0x3b: {  	_ = 	snop  }
0x3c: {  	p2 =	seq.s32 s10, $0x1;
	s10 =	sld [smem:$0x3FAF]  }
0x3d: {  	_ =	shalt  }
0x3e: {  	_ =	shalt  }
0x3f: {  	_ =	shalt  }
0x40: {  	_ =	shalt  }
0x41: {  	_ =	shalt  }
0x42: {  	_ =	shalt  }
0x43: {  	_ =	shalt  }
0x44: {  	_ =	shalt  }
0x45: {  	_ =	shalt  }
0x46: {  	_ =	shalt  }
0x47: {  	_ =	shalt  }
0x48: {  	_ =	shalt  }
0x49: {  	_ =	shalt  }
0x4a: {  	_ =	shalt  }
0x4b: {  	_ =	shalt  }
0x4c: {  	_ =	shalt  }
0x4d: {  	_ =	shalt  }
0x4e: {  	_ =	shalt  }
0x4f: {  	_ =	shalt  }
0x50: {  	_ =	shalt  }
0x51: {  	_ =	shalt  }
0x52: {  	_ =	shalt  }
0x53: {  	_ =	shalt  }
0x54: {  	_ =	shalt  }
0x55: {  	_ =	shalt  }
0x56: {  	_ =	shalt  }
0x57: {  	_ =	shalt  }
0x58: {  	_ =	shalt  }
0x59: {  	_ =	shalt  }
0x5a: {  	_ =	shalt  }
0x5b: {  	_ =	shalt  }
0x5c: {  	_ =	shalt  }
0x5d: {  	_ =	shalt  }
0x5e: {  	_ =	shalt  }
0x5f: {  	_ =	shalt  }
0x60: {  	_ =	shalt  }
0x61: {  	_ =	shalt  }
0x62: {  	_ =	shalt  }
0x63: {  	_ =	shalt  }
0x64: {  	_ =	shalt  }
0x65: {  	_ =	shalt  }
0x66: {  	_ =	shalt  }
0x67: {  	_ =	shalt  }
0x68: {  	_ =	shalt  }
0x69: {  	_ =	shalt  }
0x6a: {  	_ =	shalt  }
0x6b: {  	_ =	shalt  }
0x6c: {  	_ =	shalt  }
0x6d: {  	_ =	shalt  }
0x6e: {  	_ =	shalt  }
0x6f: {  	_ =	shalt  }
0x70: {  	_ =	shalt  }
0x71: {  	_ =	shalt  }
0x72: {  	_ =	shalt  }
0x73: {  	_ =	shalt  }
0x74: {  	_ =	shalt  }
0x75: {  	_ =	shalt  }
0x76: {  	_ =	shalt  }
0x77: {  	_ =	shalt  }
0x78: {  	_ =	shalt  }
0x79: {  	_ =	shalt  }
0x7a: {  	_ =	shalt  }
0x7b: {  	_ =	shalt  }
0x7c: {  	_ =	shalt  }
0x7d: {  	_ =	shalt  }
0x7e: {  	_ =	shalt  }
0x7f: {  	_ =	shalt  }
0x80: {  	_ =	shalt  }
0x81: {  	_ =	shalt  }
0x82: {  	_ =	shalt  }
0x83: {  	_ =	shalt  }
0x84: {  	_ =	shalt  }
0x85: {  	_ =	shalt  }
0x86: {  	_ =	shalt  }
0x87: {  	_ =	shalt  }
.Lfunc_end0:
.L_simem_size_0:
called_computation.2_lowered:
.L_overlay_start_0:
0x88: {  	s2 =	sld [smem:$0x3FD9]  }
0x89: {  	s3 =	sld [smem:$0x3FFE];
	_ =	sdelay $0x1  }
0x8a: {  	s1 =	srdreg.scid  }
0x8b: {  	s0 =	sand.u32 $0x1, s1  }
0x8c: {  	s17 =	sshll.u32 s0, $0xA;
	s2 =	sadd.s32 s3, s2  }
0x8d: {  	s2 =	sadd.s32 s2, s17  }
0x8e: {  	[smem:$0x3FBB] =	sst s2  }
0x8f: {  	_ = 	snop  }
0x90: {  	(tm) =	ssettm $0x1  }
0x91: {  	s18 =	sld [smem:$0x3FFB];
	_ =	sdelay $0x3  }
0x92: {  	_ =	strace s18  }
0x93: {  	s2 =	sld [smem:$0x3FFC];
	_ =	sdelay $0x3  }
0x94: {  	_ =	strace s2  }
0x95: {  	s2 =	sld [smem:$0x3FFD];
	_ =	sdelay $0x3  }
0x96: {  	_ =	strace s2  }
0x97: {  	_ =	strace $0x8FFFFFFF  }
0x98: {  	s19 =	sld [smem:$0x3FDB];
	_ =	sdelay $0x1  }
0x99: {  	s20 =	simm.s32 $_scs_section_size  }
0x9a: {  	s4 =	simm.s32 $_size__tile_overlayer_lowered;
	s5 =	simm.s32 $_tile_overlayer_lowered  }
0x9b: {  	s6 =	simm.s32 $0x1BFF;
	s21 =	sshll.u32 s5, $0x1;
	s3 =	sadd.s32 s20, s19  }
0x9c: {  	s22 =	simm.s32 $0x0;
	s4 =	sshll.u32 s4, $0x1;
	s5 =	sadd.s32 s21, s3  }
0x9d: {  	[timem:s22], [sflag:s6] =	dma.local [hbm:s5], s4  }
0x9e: {  	_ =	swait.ge [sflag:s6], s4  }
0x9f: {  	s4 =	ssub.s32 $0x0, s4;
	[sflag:s6] =	ssyncset.done $0x0  }
0xa0: {  	[sflag:s6] =	ssyncadd.s32 s4;
	_ =	sdelay $0x1  }
0xa1: {  	s23 =	simm.s32 $0x1B8B  }
0xa2: {  	_ =	swait.ge [sflag:s23], $0x1  }
0xa3: {  	[sflag:s23] =	ssyncset.done $0x0  }
0xa4: {  	[sflag:s23] =	ssyncadd.s32 $0xFFFFFFFF  }
0xa5: {  	s4 =	sld [smem:$0x0]  }
0xa6: {  	s5 =	sand.u32 $0xFFFFFFFE, s1  }
0xa7: {  	p0 =	sne.s32 s1, s5  }
0xa8: {  	s5 =	sshll.u32 @p0 s5, $0xE  }
0xa9: {  	s5 =	sadd.s32 @p0 $0x11B8D, s5;
	s6 =	sshll.u32 @p0 s4, $0x11  }
0xaa: {  	s5 =	sor.u32 @p0 s6, s5  }
0xab: {  	[sflag:s5] =	ssyncadd.remote.s32 @p0 $0x1;
	_ =	sdelay $0x1  }
0xac: {  	s5 =	simm.s32 @p0 $0x1B8D  }
0xad: {  	_ =	swait.eq @p0 [sflag:s5], $0x1  }
0xae: {  	[sflag:s5] =	ssyncadd.s32 @p0 $0xFFFFFFFF  }
0xaf: {  	s6 =	sshll.u32 @!p0 s1, $0xE  }
0xb0: {  	s6 =	sor.u32 @!p0 $0x4000, s6;
	s5 =	simm.s32 @!p0 $0x1B8D  }
0xb1: {  	s4 =	sshll.u32 @!p0 s4, $0x11;
	s6 =	sadd.s32 @!p0 $0x11B8D, s6;
	_ =	swait.eq @!p0 [sflag:s5], $0x1  }
0xb2: {  	s4 =	sor.u32 @!p0 s4, s6;
	[sflag:s5] =	ssyncadd.s32 @!p0 $0xFFFFFFFF  }
0xb3: {  	s25 =	simm.s32 $0x1B8E;
	s24 =	sld [smem:$0x3FFE];
	[sflag:s4] =	ssyncadd.remote.s32 @!p0 $0x1  }
0xb4: {  	s26 =	simm.s32 $execute0_lowered;
	[smem:$0x3FD2] =	sst s25  }
0xb5: {  	s5 =	sshll.u32 s26, $0x1;
	_ =	strace $0x8000004C;
	[dreg:$0x1] =	wrdreg $0xFFFFFFFF  }
0xb6: {  	s28 =	simm.s32 $_size_execute0_lowered;
	s3 =	sadd.s32 s3, s5;
	[dreg:$0x0] =	wrdreg $0x0  }
0xb7: {  	s5 =	sshll.u32 s28, $0x1;
	[dreg:$0x2] =	wrdreg s3  }
0xb8: {  	[dreg:$0x3] =	wrdreg s5  }
0xb9: {  	[dreg:$0x4] =	wrdreg $0xC0  }
0xba: {  	_ =	task [dreg:s22], $0x5FFFF  }
0xbb: {  	[dreg:$0x1] =	wrdreg $0xFFFFFFFF  }
0xbc: {  	[dreg:$0x0] =	wrdreg $0x60  }
0xbd: {  	[dreg:$0x2] =	wrdreg s24  }
0xbe: {  	[dreg:$0x3] =	wrdreg $0x0  }
0xbf: {  	[dreg:$0x4] =	wrdreg $0xA  }
0xc0: {  	_ =	task.clear_ibuf [dreg:s22], $0x5FFFF;
	_ =	strace $0x9000004C  }
0xc1: {  	s29 =	simm.s32 $0xA;
	_ =	strace $0x8000004E  }
0xc2: {  	_ =	swait.ge [sflag:s29], $0x1  }
0xc3: {  	[sflag:s29] =	ssyncadd.s32 $0xFFFFFFFF  }
0xc4: {  	_ =	strace $0x9000004E  }
0xc5: {  	_ =	sfence  }
0xc6: {  	s30 =	sld [smem:$0x0];
	_ =	sdelay $0x2  }
0xc7: {  	s31 =	sshll.u32 s1, $0xD;
	s1 =	sshrl.u32 s1, $0x2  }
0xc8: {  	s4 =	sand.u32 $0x4000, s31;
	s1 =	sadd.s32 s1, s30  }
0xc9: {  	s0 =	sor.u32 s4, s0;
	s1 =	sshll.u32 s1, $0x11  }
0xca: {  	s0 =	sor.u32 s1, s0  }
0xcb: {  	s0 =	sadd.s32 $0x8F2B, s0  }
0xcc: {  	[sflag:s0] =	ssyncadd.remote.s32 $0x1  }
0xcd: {  	_ =	sfence.sel $0xFFFF  }
0xce: {  	[dreg:$0x0] =	wrdreg $0xFFFFFFFF;
	(pc) =	sbr.abs _section_cstart, $3  }
0xcf: {  	[dreg:$0x1] =	wrdreg $0xFFFFFFFF  }
0xd0: {  	_ =	task.clear_ibuf [dreg:s22], $0x2FFFF;
	_ =	strace $0x9FFFFFFF  }
0xd1: {  	(tm) =	ssettm $0x7FFFFFFF  }
tec
execute0_lowered:
.L_overlay_start_1:
0x0: {  	(tag) =	ssettag $0x1  }
0x1: {  	s1 =	srdreg.scid  }
0x2: {  	s0 =	stileid.u32;
	s7 =	rddreg [dreg:$0x0]  }
0x3: {  	s2 =	rddreg [dreg:$0x1];
	s3 =	simm.s32 $0x0;
	s12 =	simm.s32 $0x13880  }
0x4: {  	s13 =	simm.s32 $0x13948;
	s14 =	simm.s32 $0xC8;
	s5 =	smul.u32 $0x13880, s0  }
0x5: {  	s4 =	sand.u32 $0x1, s1;
	s8 =	smul.u32 $0x1388, s0;
	s1 =	rddreg [dreg:$0x2]  }
0x6: {  	s15 =	simm.s32 $0x0;
	[smem:$0x7FF] =	sst s3;
	s6 =	smul.u32 $0x13880, s4  }
0x7: {  	s31 =	sshll.u32 s0, $0x6;
	s9 =	smul.u32 $0x138800, s4;
	s4 =	ssub.s32 $0x2, s4  }
0x8: {  	_ =	strace $0x8000004D;
	s29 =	sshrl.u32 s5, $0x3;
	s30 =	sshrl.u32 s4, $0x1  }
0x9: {  	s11 =	sadd.s32 s5, s2;
	s6 =	sadd.s32 s8, s6;
	s28 =	sadd.s32 s5, s9  }
0xa: {  	s5 =	sor.u32 $0x1C01, s31;
	s6 =	sshrl.u32 s6, $0x3;
	s9 =	sadd.s32 s28, s7  }
0xb: {  	s8 =	sshrl.u32 s28, $0x3;
	s10 =	sadd.s32 s6, s7;
	s6 =	sadd.s32 s29, s7  }
0xc: {  	s7 =	sadd.s32 s8, s7;
	s8 =	ssub.s32 s4, s30;
	s4 =	sadd.s32 $0x3BE00, s6  }
0xd: {  	s6 =	sadd.s32 $0x63000, s7;
	s7 =	smax.u32 s8, $0x1;
	s8 =	sadd.s32 $0xA5D600, s9  }
0xe: {  	s9 =	sadd.s32 $0x36E00, s10;
	s10 =	sshrl.u32 s11, $0x3;
	s11 =	simm.s32 $0x1  }
.LBB2_1:
0xf: {  	[spmem:s10], [sflag:s5] =	dma.local [hbm:s4], $0x2710  }
0x10: {  	_ =	swait.ge [sflag:s11], $0x2710  }
0x11: {  	[sflag:s11] =	ssyncset.done $0x0  }
0x12: {  	[sflag:s11] =	ssyncadd.s32 $0xFFFFD8F0  }
0x13: {  	s16 =	sadd.s32 $0x0, s9;
	[bflag:$0x0] =	sbarrier.arrive $0xFFFF  }
0x14: {  	[tilespmem:s12], [sflag:$0x1] =	stream.linear.gather [hbm4b:s16+s3], $0xC8, $0x38;
	[tilespmem:$0x19D48] =	vst v63  }
0x15: {  	_ =	swait.ge [sflag:s11], $0xC8  }
0x16: {  	[sflag:s11] =	ssyncset.done $0x0  }
0x17: {  	[sflag:s11] =	ssyncadd.s32 $0xFFFFFF38  }
0x18: {  	[tilespmem:s13], [sflag:$0x1] =	stream.linear.gather [hbm4b:s8+s3], $0x6400, $0x38;
	[tilespmem:$0x19D48] =	vst v63  }
0x19: {  	_ =	swait.ge [sflag:s11], $0x6400  }
0x1a: {  	[sflag:s11] =	ssyncset.done $0x0  }
0x1b: {  	[sflag:s11] =	ssyncadd.s32 $0xFFFF9C00  }
0x1c: {  	[spmem:s2] =	stream.indirect.scatter.add.f32 [tilespmem:s13], [sflag:$0x1], $0x80, s12, s14, $0xb8;
	[tilespmem:$0x19D48] =	vst v63  }
0x1d: {  	s17 =	simm.s32 $0x19;
	_ =	swait.ge [sflag:s11], $0x6400  }
0x1e: {  	s18 =	simm.s32 $0x32;
	s16 =	sadd.s32 $0xC80, s8;
	[sflag:s11] =	ssyncset.done $0x0  }
.LBB2_2:
0x1f: {  	s19 =	sadd.s32 s17, s9  }
0x20: {  	[sflag:s11] =	ssyncadd.s32 $0xFFFF9C00;
	s17 =	smov.u32 s18;
	s20 =	sadd.s32 $0x19, s18  }
0x21: {  	[tilespmem:s12], [sflag:$0x1] =	stream.linear.gather [hbm4b:s19+s3], $0xC8, $0x38;
	[tilespmem:$0x19D48] =	vst v63  }
0x22: {  	p0 =	sne.s32 s18, $0x258;
	_ =	swait.ge [sflag:s11], $0xC8  }
0x23: {  	[sflag:s11] =	ssyncset.done $0x0  }
0x24: {  	[sflag:s11] =	ssyncadd.s32 $0xFFFFFF38  }
0x25: {  	[tilespmem:s13], [sflag:$0x1] =	stream.linear.gather [hbm4b:s16+s3], $0x6400, $0x38;
	[tilespmem:$0x19D48] =	vst v63  }
0x26: {  	_ =	swait.ge [sflag:s11], $0x6400  }
.Ltmp0:
0x27: {  	[sflag:s11] =	ssyncset.done $0x0;
	(pc) =	sbr.rel @p0 .LBB2_2-.Ltmp0, $4  }
0x28: {  	[sflag:s11] =	ssyncadd.s32 $0xFFFF9C00  }
0x29: {  	[spmem:s2] =	stream.indirect.scatter.add.f32 [tilespmem:s13], [sflag:$0x1], $0x80, s12, s14, $0xb8;
	[tilespmem:$0x19D48] =	vst v63  }
0x2a: {  	_ =	swait.ge [sflag:s11], $0x6400  }
0x2b: {  	s18 =	smov.u32 s20;
	s16 =	sadd.s32 $0xC80, s16;
	[sflag:s11] =	ssyncset.done $0x0  }
0x2c: {  	s17 =	sadd.s32 s17, s9;
	[sflag:s11] =	ssyncadd.s32 $0xFFFF9C00  }
0x2d: {  	[tilespmem:s12], [sflag:$0x1] =	stream.linear.gather [hbm4b:s17+s3], $0xC8, $0x38;
	[tilespmem:$0x19D48] =	vst v63  }
0x2e: {  	_ =	swait.ge [sflag:s11], $0xC8  }
0x2f: {  	[sflag:s11] =	ssyncset.done $0x0  }
0x30: {  	[sflag:s11] =	ssyncadd.s32 $0xFFFFFF38  }
0x31: {  	[tilespmem:s13], [sflag:$0x1] =	stream.linear.gather [hbm4b:s16+s3], $0x6400, $0x38;
	[tilespmem:$0x19D48] =	vst v63  }
0x32: {  	_ =	swait.ge [sflag:s11], $0x6400  }
0x33: {  	[sflag:s11] =	ssyncset.done $0x0  }
0x34: {  	[sflag:s11] =	ssyncadd.s32 $0xFFFF9C00  }
0x35: {  	[spmem:s2] =	stream.indirect.scatter.add.f32 [tilespmem:s13], [sflag:$0x1], $0x80, s12, s14, $0xb8;
	[tilespmem:$0x19D48] =	vst v63  }
0x36: {  	_ =	swait.ge [sflag:s11], $0x6400  }
0x37: {  	s15 =	sadd.s32 $0x1, s15;
	[sflag:s11] =	ssyncset.done $0x0  }
0x38: {  	p0 =	sne.s32 s15, s7;
	[sflag:s11] =	ssyncadd.s32 $0xFFFF9C00  }
.Ltmp1:
0x39: {  	[bflag:$0x0] =	sbarrier.arrive $0xFFFF;
	(pc) =	sbr.rel @p0 .LBB2_1-.Ltmp1, $4  }
0x3a: {  	[hbm:s6], [sflag:s5] =	dma.local [spmem:s10], $0x2710  }
0x3b: {  	_ =	swait.ge [sflag:s11], $0x2710  }
0x3c: {  	[sflag:s11] =	ssyncset.done $0x0  }
0x3d: {  	[sflag:s11] =	ssyncadd.s32 $0xFFFFD8F0  }
0x3e: {  	_ =	sfence.sel $0x180000  }
0x3f: {  	[bflag:$0x0] =	sbarrier.arrive $0xFFFF  }
0x40: {  	p0 =	sne.s32 s0, $0x0;
	_ =	strace $0x9000004D  }
0x41: {  	s0 =	sadd.s32 @!p0 $0x100000, s1;
	[bflag:$0x2] =	sbarrier.arrive $0xFFFF  }
0x42: {  	[sflag:s0] =	ssyncadd.tile.s32 @!p0 $0x1;
	_ =	shalt  }
.Lfunc_end2:
_tile_overlayer_lowered:
.L_overlay_start_2:
0x43: {  	(tag) =	ssettag $0x2  }
0x44: {  	s0 =	rddreg [dreg:$0x0];
	s2 =	stileid.u32  }
0x45: {  	s1 =	rddreg [dreg:$0x1];
	p0 =	sne.s32 s2, $0x0  }
0x46: {  	s3 =	rddreg [dreg:$0x2];
	[bflag:$0x3] =	sbarrier.arrive $0xFFFF;
	s2 =	simm.s32 @!p0 $0x1C01  }
0x47: {  	[timem:s3], [sflag:s2] =	dma.local @!p0 [hbm:s0], s1  }
0x48: {  	s0 =	simm.s32 @!p0 $0x1  }
0x49: {  	_ =	swait.ge @!p0 [sflag:s0], s1  }
0x4a: {  	s1 =	ssub.s32 @!p0 $0x0, s1;
	[sflag:s0] =	ssyncset.done @!p0 $0x0  }
0x4b: {  	[sflag:s0] =	ssyncadd.s32 @!p0 s1  }
0x4c: {  	[bflag:$0x3] =	sbarrier.arrive $0xFFFF  }
0x4d: {  	_ =	shalt  }

// kernel: kernel.19.cloned.1.call-start
scs
__scs_entry_jumppad:
0x0: {  	(pc) =	sbr.rel $0x88, $3  }
0x1: {  	(tag) =	ssettag $0x0;
	lr =	simm.s32 $0x1  }
0x2: {  	[smem:$0x3F94] =	sst lr;
	_ =	strace $0xD0000000  }
0x3: {  	_ = 	snop  }
0x4: {  	_ = 	snop  }
0x5: {  	_ = 	snop  }
0x6: {  	_ = 	snop  }
0x7: {  	_ = 	snop  }
__scs_overlays_trampoline_lowered:
0x8: {  	[smem:$0x3FA3] =	sst s0  }
0x9: {  	[smem:$0x3FA4] =	sst s1  }
0xa: {  	[smem:$0x3FA5] =	sst s2  }
0xb: {  	[smem:$0x3FA6] =	sst s3  }
0xc: {  	[smem:$0x3FA7] =	sst s4  }
0xd: {  	[smem:$0x3FA8] =	sst s5  }
0xe: {  	[smem:$0x3FA9] =	sst s6  }
0xf: {  	[smem:$0x3FAA] =	sst s7  }
0x10: {  	[smem:$0x3FAB] =	sst s8  }
0x11: {  	[smem:$0x3FAC] =	sst s9;
	s0 =	simm.s32 @!p0 $0x0  }
0x12: {  	s1 =	sld [smem:$0x3F92];
	s0 =	simm.s32 @p0 $0x1  }
0x13: {  	[smem:$0x3FAD] =	sst s0;
	s0 =	simm.s32 @!p1 $0x0  }
0x14: {  	s2 =	sld [smem:$0x3F91];
	s0 =	simm.s32 @p1 $0x1  }
0x15: {  	[smem:$0x3FAE] =	sst s0;
	s0 =	simm.s32 @!p2 $0x0  }
0x16: {  	s3 =	sld [smem:$0x3FDB];
	s0 =	simm.s32 @p2 $0x1  }
0x17: {  	s4 =	simm.s32 $0x1BF5;
	[smem:$0x3FB0] =	sst s0  }
0x18: {  	s0 =	sld [smem:$0x3F93];
	_ =	swait.ge [sflag:s4], $0x0  }
0x19: {  	s7 =	sld [smem:$0x3F94]  }
0x1a: {  	s8 =	sadd.s32 $0xFFFFE003, lr  }
0x1b: {  	s9 =	sadd.s32 $0xFFFFFEF7, lr;
	s5 =	simm.s32 $0xFFFFFFFF;
	p2 =	slt.u32 s8, $0xFFFFF086  }
0x1c: {  	p1 =	slt.u32 s9, $0xF7A;
	s5 =	simm.s32 @!p2 $0x0  }
0x1d: {  	s5 =	simm.s32 @p1 $0x1;
	p0 =	seq.s32 s7, s2  }
0x1e: {  	s7 =	smul.u32 @!p0 $0xF7A, s2;
	p2 =	seq.s32 @!p0 s5, $0x0  }
0x1f: {  	s9 =	smul.u32 $0xF7A, s1;
	s8 =	simm.s32 @!p0 $0x1BF5;
	p2 =	por !p2, p0  }
0x20: {  	[sflag:s8] =	ssyncset.s32 @!p0 $0xFFFFF086;
	s6 =	sadd.s32 @!p0 s3, s7;
	s7 =	simm.s32 @!p0 $0x108  }
0x21: {  	s3 =	sadd.s32 s3, s9;
	s6 =	sadd.s32 @!p0 $0x88, s6;
	s7 =	simm.s32 @p2 $0x1082  }
0x22: {  	[simem:s7], [sflag:s8] =	dma.local @!p0 [hbm:s6], $0xF7A  }
0x23: {  	s9 =	sor.u32 $0xD0000000, s2;
	s6 =	simm.s32 $0x108;
	_ =	swait.ge @!p0 [sflag:s8], $0x0  }
0x24: {  	s3 =	sadd.s32 $0x88, s3;
	s6 =	simm.s32 @!p1 $0x1082;
	[sflag:s4] =	ssyncset.s32 $0xFFFFF086  }
0x25: {  	[simem:s6], [sflag:s4] =	dma.local [hbm:s3], $0xF7A  }
0x26: {  	[smem:$0x3F94] =	sst s1;
	(tag) =	ssettag s2;
	_ =	strace s9  }
0x27: {  	s1 =	sld [smem:$0x3FA4]  }
0x28: {  	s2 =	sld [smem:$0x3FA5]  }
0x29: {  	s4 =	sld [smem:$0x3FA7]  }
0x2a: {  	p0 =	seq.s32 s5, $0x0;
	s5 =	sld [smem:$0x3FA8]  }
0x2b: {  	s6 =	sld [smem:$0x3FA9]  }
0x2c: {  	s7 =	sld [smem:$0x3FAA]  }
0x2d: {  	s3 =	simm.s32 $0x108;
	s8 =	sld [smem:$0x3FAB]  }
0x2e: {  	s3 =	simm.s32 @!p0 $0x1082;
	s9 =	sld [smem:$0x3FAC]  }
0x2f: {  	lr =	sadd.s32 s0, s3;
	s0 =	sld [smem:$0x3FA3]  }
0x30: {  	s3 =	sld [smem:$0x3FA6]  }
0x31: {  	[smem:$0x3FAF] =	sst s10  }
0x32: {  	s10 =	sld [smem:$0x3FAD];
	_ =	sdelay $0x3  }
0x33: {  	p0 =	seq.s32 s10, $0x1;
	s10 =	sld [smem:$0x3FAF];
	_ =	sdelay $0x3  }
0x34: {  	[smem:$0x3FAF] =	sst s10  }
0x35: {  	s10 =	sld [smem:$0x3FAE];
	_ =	sdelay $0x3  }
0x36: {  	p1 =	seq.s32 s10, $0x1;
	s10 =	sld [smem:$0x3FAF];
	_ =	sdelay $0x3  }
0x37: {  	[smem:$0x3FAF] =	sst s10  }
0x38: {  	s10 =	sld [smem:$0x3FB0]  }
0x39: {  	_ = 	snop;
	(pc) =	sbr.ind lr, $3  }
0x3a: {  	_ = 	snop  }
0x3b: {  	_ = 	snop  }
0x3c: {  	p2 =	seq.s32 s10, $0x1;
	s10 =	sld [smem:$0x3FAF]  }
0x3d: {  	_ =	shalt  }
0x3e: {  	_ =	shalt  }
0x3f: {  	_ =	shalt  }
0x40: {  	_ =	shalt  }
0x41: {  	_ =	shalt  }
0x42: {  	_ =	shalt  }
0x43: {  	_ =	shalt  }
0x44: {  	_ =	shalt  }
0x45: {  	_ =	shalt  }
0x46: {  	_ =	shalt  }
0x47: {  	_ =	shalt  }
0x48: {  	_ =	shalt  }
0x49: {  	_ =	shalt  }
0x4a: {  	_ =	shalt  }
0x4b: {  	_ =	shalt  }
0x4c: {  	_ =	shalt  }
0x4d: {  	_ =	shalt  }
0x4e: {  	_ =	shalt  }
0x4f: {  	_ =	shalt  }
0x50: {  	_ =	shalt  }
0x51: {  	_ =	shalt  }
0x52: {  	_ =	shalt  }
0x53: {  	_ =	shalt  }
0x54: {  	_ =	shalt  }
0x55: {  	_ =	shalt  }
0x56: {  	_ =	shalt  }
0x57: {  	_ =	shalt  }
0x58: {  	_ =	shalt  }
0x59: {  	_ =	shalt  }
0x5a: {  	_ =	shalt  }
0x5b: {  	_ =	shalt  }
0x5c: {  	_ =	shalt  }
0x5d: {  	_ =	shalt  }
0x5e: {  	_ =	shalt  }
0x5f: {  	_ =	shalt  }
0x60: {  	_ =	shalt  }
0x61: {  	_ =	shalt  }
0x62: {  	_ =	shalt  }
0x63: {  	_ =	shalt  }
0x64: {  	_ =	shalt  }
0x65: {  	_ =	shalt  }
0x66: {  	_ =	shalt  }
0x67: {  	_ =	shalt  }
0x68: {  	_ =	shalt  }
0x69: {  	_ =	shalt  }
0x6a: {  	_ =	shalt  }
0x6b: {  	_ =	shalt  }
0x6c: {  	_ =	shalt  }
0x6d: {  	_ =	shalt  }
0x6e: {  	_ =	shalt  }
0x6f: {  	_ =	shalt  }
0x70: {  	_ =	shalt  }
0x71: {  	_ =	shalt  }
0x72: {  	_ =	shalt  }
0x73: {  	_ =	shalt  }
0x74: {  	_ =	shalt  }
0x75: {  	_ =	shalt  }
0x76: {  	_ =	shalt  }
0x77: {  	_ =	shalt  }
0x78: {  	_ =	shalt  }
0x79: {  	_ =	shalt  }
0x7a: {  	_ =	shalt  }
0x7b: {  	_ =	shalt  }
0x7c: {  	_ =	shalt  }
0x7d: {  	_ =	shalt  }
0x7e: {  	_ =	shalt  }
0x7f: {  	_ =	shalt  }
0x80: {  	_ =	shalt  }
0x81: {  	_ =	shalt  }
0x82: {  	_ =	shalt  }
0x83: {  	_ =	shalt  }
0x84: {  	_ =	shalt  }
0x85: {  	_ =	shalt  }
0x86: {  	_ =	shalt  }
0x87: {  	_ =	shalt  }
.Lfunc_end0:
.L_simem_size_0:
called_computation.3_lowered:
.L_overlay_start_0:
0x88: {  	s2 =	sld [smem:$0x3FD9]  }
0x89: {  	s3 =	sld [smem:$0x3FFE];
	_ =	sdelay $0x1  }
0x8a: {  	s1 =	srdreg.scid  }
0x8b: {  	s0 =	sand.u32 $0x1, s1  }
0x8c: {  	s15 =	sshll.u32 s0, $0xA;
	s2 =	sadd.s32 s3, s2  }
0x8d: {  	s2 =	sadd.s32 s2, s15  }
0x8e: {  	[smem:$0x3FBB] =	sst s2  }
0x8f: {  	_ = 	snop  }
0x90: {  	s2 =	sld [smem:$0x3FD0];
	_ =	sdelay $0x2  }
0x91: {  	s16 =	simm.s32 $0xB;
	s4 =	simm.s32 $0x10  }
0x92: {  	[smem:s4], [sflag:s16] =	dma.local [hbm:s2], $0x1  }
0x93: {  	_ =	swait.eq [sflag:s16], $0x1  }
0x94: {  	[sflag:s16] =	ssyncset.done $0x0  }
0x95: {  	[sflag:s16] =	ssyncadd.s32 $0xFFFFFFFF  }
0x96: {  	s17 =	sld [smem:$0x11];
	(tm) =	ssettm $0x1  }
0x97: {  	s18 =	sld [smem:$0x3FFB];
	_ =	sdelay $0x3  }
0x98: {  	_ =	strace s18  }
0x99: {  	s2 =	sld [smem:$0x3FFC];
	_ =	sdelay $0x3  }
0x9a: {  	_ =	strace s2  }
0x9b: {  	s2 =	sld [smem:$0x3FFD];
	_ =	sdelay $0x3  }
0x9c: {  	_ =	strace s2  }
0x9d: {  	_ =	strace $0x8FFFFFFF  }
0x9e: {  	s19 =	sld [smem:$0x3FDB];
	_ =	sdelay $0x1  }
0x9f: {  	s20 =	simm.s32 $_scs_section_size  }
0xa0: {  	s5 =	simm.s32 $_size__tile_overlayer_lowered;
	s6 =	simm.s32 $_tile_overlayer_lowered  }
0xa1: {  	s7 =	simm.s32 $0x1BFF;
	s21 =	sshll.u32 s6, $0x1;
	s4 =	sadd.s32 s20, s19  }
0xa2: {  	s22 =	simm.s32 $0x0;
	s5 =	sshll.u32 s5, $0x1;
	s6 =	sadd.s32 s21, s4  }
0xa3: {  	[timem:s22], [sflag:s7] =	dma.local [hbm:s6], s5  }
0xa4: {  	_ =	swait.ge [sflag:s7], s5  }
0xa5: {  	s5 =	ssub.s32 $0x0, s5;
	[sflag:s7] =	ssyncset.done $0x0  }
0xa6: {  	[sflag:s7] =	ssyncadd.s32 s5;
	_ =	sdelay $0x1  }
0xa7: {  	s23 =	simm.s32 $0x1B8B  }
0xa8: {  	_ =	swait.ge [sflag:s23], $0x1  }
0xa9: {  	[sflag:s23] =	ssyncset.done $0x0  }
0xaa: {  	[sflag:s23] =	ssyncadd.s32 $0xFFFFFFFF  }
0xab: {  	s5 =	sld [smem:$0x0]  }
0xac: {  	s6 =	sand.u32 $0xFFFFFFFE, s1  }
0xad: {  	p0 =	sne.s32 s1, s6  }
0xae: {  	s6 =	sshll.u32 @p0 s6, $0xE  }
0xaf: {  	s6 =	sadd.s32 @p0 $0x11B8D, s6;
	s7 =	sshll.u32 @p0 s5, $0x11  }
0xb0: {  	s6 =	sor.u32 @p0 s7, s6  }
0xb1: {  	[sflag:s6] =	ssyncadd.remote.s32 @p0 $0x1;
	_ =	sdelay $0x1  }
0xb2: {  	s6 =	simm.s32 @p0 $0x1B8D  }
0xb3: {  	_ =	swait.eq @p0 [sflag:s6], $0x1  }
0xb4: {  	[sflag:s6] =	ssyncadd.s32 @p0 $0xFFFFFFFF  }
0xb5: {  	s7 =	sshll.u32 @!p0 s1, $0xE  }
0xb6: {  	s7 =	sor.u32 @!p0 $0x4000, s7;
	s6 =	simm.s32 @!p0 $0x1B8D  }
0xb7: {  	s5 =	sshll.u32 @!p0 s5, $0x11;
	s7 =	sadd.s32 @!p0 $0x11B8D, s7;
	_ =	swait.eq @!p0 [sflag:s6], $0x1  }
0xb8: {  	s5 =	sor.u32 @!p0 s5, s7;
	[sflag:s6] =	ssyncadd.s32 @!p0 $0xFFFFFFFF  }
0xb9: {  	s25 =	simm.s32 $0x1B8E;
	s24 =	sld [smem:$0x3FFE];
	[sflag:s5] =	ssyncadd.remote.s32 @!p0 $0x1  }
0xba: {  	s26 =	simm.s32 $execute0_lowered;
	[smem:$0x3FD2] =	sst s25  }
0xbb: {  	s6 =	sshll.u32 s26, $0x1;
	_ =	strace $0x8000004F;
	[dreg:$0x1] =	wrdreg $0xFFFFFFFF  }
0xbc: {  	s28 =	simm.s32 $_size_execute0_lowered;
	s4 =	sadd.s32 s4, s6;
	[dreg:$0x0] =	wrdreg $0x0  }
0xbd: {  	s6 =	sshll.u32 s28, $0x1;
	[dreg:$0x2] =	wrdreg s4  }
0xbe: {  	[dreg:$0x3] =	wrdreg s6  }
0xbf: {  	[dreg:$0x4] =	wrdreg $0xC0  }
0xc0: {  	_ =	task [dreg:s22], $0x5FFFF  }
0xc1: {  	[dreg:$0x1] =	wrdreg $0xFFFFFFFF  }
0xc2: {  	[dreg:$0x0] =	wrdreg $0x60  }
0xc3: {  	[dreg:$0x2] =	wrdreg s24  }
0xc4: {  	[dreg:$0x3] =	wrdreg s17  }
0xc5: {  	[dreg:$0x4] =	wrdreg $0x0  }
0xc6: {  	[dreg:$0x5] =	wrdreg $0x9  }
0xc7: {  	_ =	task.clear_ibuf [dreg:s22], $0x6FFFF;
	_ =	strace $0x9000004F  }
0xc8: {  	s29 =	simm.s32 $0x9;
	_ =	strace $0x80000051  }
0xc9: {  	_ =	swait.ge [sflag:s29], $0x1  }
0xca: {  	[sflag:s29] =	ssyncadd.s32 $0xFFFFFFFF  }
0xcb: {  	_ =	strace $0x90000051  }
0xcc: {  	_ =	sfence  }
0xcd: {  	s30 =	sld [smem:$0x0];
	_ =	sdelay $0x2  }
0xce: {  	s31 =	sshll.u32 s1, $0xD;
	s1 =	sshrl.u32 s1, $0x2  }
0xcf: {  	s4 =	sand.u32 $0x4000, s31;
	s1 =	sadd.s32 s1, s30  }
0xd0: {  	s0 =	sor.u32 s4, s0;
	s1 =	sshll.u32 s1, $0x11  }
0xd1: {  	s0 =	sor.u32 s1, s0  }
0xd2: {  	s0 =	sadd.s32 $0x8F2B, s0  }
0xd3: {  	[sflag:s0] =	ssyncadd.remote.s32 $0x1  }
0xd4: {  	_ =	sfence.sel $0xFFFF  }
0xd5: {  	[dreg:$0x0] =	wrdreg $0xFFFFFFFF;
	(pc) =	sbr.abs _section_cstart, $3  }
0xd6: {  	[dreg:$0x1] =	wrdreg $0xFFFFFFFF  }
0xd7: {  	_ =	task.clear_ibuf [dreg:s22], $0x2FFFF;
	_ =	strace $0x9FFFFFFF  }
0xd8: {  	(tm) =	ssettm $0x7FFFFFFF  }
0xd9: {  	_ =	shalt  }
tec
execute0_lowered:
.L_overlay_start_1:
0x0: {  	(tag) =	ssettag $0x1  }
0x1: {  	s4 =	rddreg [dreg:$0x0]  }
0x2: {  	s1 =	srdreg.scid;
	s6 =	rddreg [dreg:$0x1]  }
0x3: {  	s0 =	stileid.u32;
	s2 =	rddreg [dreg:$0x2];
	s3 =	simm.s32 $0x0  }
0x4: {  	s13 =	simm.s32 $0x13948;
	s14 =	simm.s32 $0xC8;
	s7 =	smul.u32 $0x13880, s0  }
0x5: {  	s5 =	sand.u32 $0x1, s1;
	s1 =	rddreg [dreg:$0x3];
	s10 =	smul.u32 $0x1388, s0  }
0x6: {  	s15 =	simm.s32 $0x0;
	[smem:$0x7FF] =	sst s3;
	s8 =	smul.u32 $0x138800, s5  }
0x7: {  	s30 =	sshll.u32 s0, $0x6;
	s9 =	smul.u32 $0x13880, s5;
	s5 =	ssub.s32 $0x2, s5  }
0x8: {  	_ =	strace $0x80000050;
	s26 =	sshrl.u32 s7, $0x3;
	s12 =	sshrl.u32 s5, $0x1  }
0x9: {  	s29 =	sadd.s32 s7, s2;
	s8 =	sadd.s32 s7, s8;
	s9 =	sadd.s32 s10, s9  }
0xa: {  	s28 =	ssub.s32 s5, s12;
	s5 =	sor.u32 $0x1C01, s30;
	s10 =	sshrl.u32 s29, $0x3  }
0xb: {  	s12 =	simm.s32 $0x13880;
	s11 =	sadd.s32 s8, s4;
	s9 =	sshrl.u32 s9, $0x3  }
0xc: {  	s31 =	sshrl.u32 s8, $0x3;
	s7 =	smax.u32 s28, $0x1;
	s9 =	sadd.s32 s9, s4  }
0xd: {  	s4 =	sadd.s32 s26, s4;
	s6 =	sadd.s32 s6, s31;
	s8 =	sadd.s32 $0xCCE600, s11  }
0xe: {  	s11 =	simm.s32 $0x1;
	s4 =	sadd.s32 $0x3BE00, s4;
	s9 =	sadd.s32 $0x19B800, s9  }
.LBB2_1:
0xf: {  	[spmem:s10], [sflag:s5] =	dma.local [hbm:s4], $0x2710  }
0x10: {  	_ =	swait.ge [sflag:s11], $0x2710  }
0x11: {  	[sflag:s11] =	ssyncset.done $0x0  }
0x12: {  	[sflag:s11] =	ssyncadd.s32 $0xFFFFD8F0  }
0x13: {  	s16 =	sadd.s32 $0x0, s9;
	[bflag:$0x0] =	sbarrier.arrive $0xFFFF  }
0x14: {  	[tilespmem:s12], [sflag:$0x1] =	stream.linear.gather [hbm4b:s16+s3], $0xC8, $0x38;
	[tilespmem:$0x19D48] =	vst v63  }
0x15: {  	_ =	swait.ge [sflag:s11], $0xC8  }
0x16: {  	[sflag:s11] =	ssyncset.done $0x0  }
0x17: {  	[sflag:s11] =	ssyncadd.s32 $0xFFFFFF38  }
0x18: {  	[tilespmem:s13], [sflag:$0x1] =	stream.linear.gather [hbm4b:s8+s3], $0x6400, $0x38;
	[tilespmem:$0x19D48] =	vst v63  }
0x19: {  	_ =	swait.ge [sflag:s11], $0x6400  }
0x1a: {  	[sflag:s11] =	ssyncset.done $0x0  }
0x1b: {  	[sflag:s11] =	ssyncadd.s32 $0xFFFF9C00  }
0x1c: {  	[spmem:s2] =	stream.indirect.scatter.add.f32 [tilespmem:s13], [sflag:$0x1], $0x80, s12, s14, $0xb8;
	[tilespmem:$0x19D48] =	vst v63  }
0x1d: {  	s17 =	simm.s32 $0x19;
	_ =	swait.ge [sflag:s11], $0x6400  }
0x1e: {  	s18 =	simm.s32 $0x32;
	s16 =	sadd.s32 $0xC80, s8;
	[sflag:s11] =	ssyncset.done $0x0  }
.LBB2_2:
0x1f: {  	s19 =	sadd.s32 s17, s9  }
0x20: {  	[sflag:s11] =	ssyncadd.s32 $0xFFFF9C00;
	s17 =	smov.u32 s18;
	s20 =	sadd.s32 $0x19, s18  }
0x21: {  	[tilespmem:s12], [sflag:$0x1] =	stream.linear.gather [hbm4b:s19+s3], $0xC8, $0x38;
	[tilespmem:$0x19D48] =	vst v63  }
0x22: {  	p0 =	sne.s32 s18, $0x258;
	_ =	swait.ge [sflag:s11], $0xC8  }
0x23: {  	[sflag:s11] =	ssyncset.done $0x0  }
0x24: {  	[sflag:s11] =	ssyncadd.s32 $0xFFFFFF38  }
0x25: {  	[tilespmem:s13], [sflag:$0x1] =	stream.linear.gather [hbm4b:s16+s3], $0x6400, $0x38;
	[tilespmem:$0x19D48] =	vst v63  }
0x26: {  	_ =	swait.ge [sflag:s11], $0x6400  }
.Ltmp0:
0x27: {  	[sflag:s11] =	ssyncset.done $0x0;
	(pc) =	sbr.rel @p0 .LBB2_2-.Ltmp0, $4  }
0x28: {  	[sflag:s11] =	ssyncadd.s32 $0xFFFF9C00  }
0x29: {  	[spmem:s2] =	stream.indirect.scatter.add.f32 [tilespmem:s13], [sflag:$0x1], $0x80, s12, s14, $0xb8;
	[tilespmem:$0x19D48] =	vst v63  }
0x2a: {  	_ =	swait.ge [sflag:s11], $0x6400  }
0x2b: {  	s18 =	smov.u32 s20;
	s16 =	sadd.s32 $0xC80, s16;
	[sflag:s11] =	ssyncset.done $0x0  }
0x2c: {  	s17 =	sadd.s32 s17, s9;
	[sflag:s11] =	ssyncadd.s32 $0xFFFF9C00  }
0x2d: {  	[tilespmem:s12], [sflag:$0x1] =	stream.linear.gather [hbm4b:s17+s3], $0xC8, $0x38;
	[tilespmem:$0x19D48] =	vst v63  }
0x2e: {  	_ =	swait.ge [sflag:s11], $0xC8  }
0x2f: {  	[sflag:s11] =	ssyncset.done $0x0  }
0x30: {  	[sflag:s11] =	ssyncadd.s32 $0xFFFFFF38  }
0x31: {  	[tilespmem:s13], [sflag:$0x1] =	stream.linear.gather [hbm4b:s16+s3], $0x6400, $0x38;
	[tilespmem:$0x19D48] =	vst v63  }
0x32: {  	_ =	swait.ge [sflag:s11], $0x6400  }
0x33: {  	[sflag:s11] =	ssyncset.done $0x0  }
0x34: {  	[sflag:s11] =	ssyncadd.s32 $0xFFFF9C00  }
0x35: {  	[spmem:s2] =	stream.indirect.scatter.add.f32 [tilespmem:s13], [sflag:$0x1], $0x80, s12, s14, $0xb8;
	[tilespmem:$0x19D48] =	vst v63  }
0x36: {  	_ =	swait.ge [sflag:s11], $0x6400  }
0x37: {  	s15 =	sadd.s32 $0x1, s15;
	[sflag:s11] =	ssyncset.done $0x0  }
0x38: {  	p0 =	sne.s32 s15, s7;
	[sflag:s11] =	ssyncadd.s32 $0xFFFF9C00  }
.Ltmp1:
0x39: {  	[bflag:$0x0] =	sbarrier.arrive $0xFFFF;
	(pc) =	sbr.rel @p0 .LBB2_1-.Ltmp1, $4  }
0x3a: {  	[hbm:s6], [sflag:s5] =	dma.local [spmem:s10], $0x2710  }
0x3b: {  	_ =	swait.ge [sflag:s11], $0x2710  }
0x3c: {  	[sflag:s11] =	ssyncset.done $0x0  }
0x3d: {  	[sflag:s11] =	ssyncadd.s32 $0xFFFFD8F0  }
0x3e: {  	_ =	sfence.sel $0x180000  }
0x3f: {  	[bflag:$0x0] =	sbarrier.arrive $0xFFFF  }
0x40: {  	p0 =	sne.s32 s0, $0x0;
	_ =	strace $0x90000050  }
0x41: {  	s0 =	sadd.s32 @!p0 $0x100000, s1;
	[bflag:$0x2] =	sbarrier.arrive $0xFFFF  }
0x42: {  	[sflag:s0] =	ssyncadd.tile.s32 @!p0 $0x1;
	_ =	shalt  }
.Lfunc_end2:
_tile_overlayer_lowered:
.L_overlay_start_2:
0x43: {  	(tag) =	ssettag $0x2  }
0x44: {  	s0 =	rddreg [dreg:$0x0];
	s2 =	stileid.u32  }
0x45: {  	s1 =	rddreg [dreg:$0x1];
	p0 =	sne.s32 s2, $0x0  }
0x46: {  	s3 =	rddreg [dreg:$0x2];
	[bflag:$0x3] =	sbarrier.arrive $0xFFFF;
	s2 =	simm.s32 @!p0 $0x1C01  }
0x47: {  	[timem:s3], [sflag:s2] =	dma.local @!p0 [hbm:s0], s1  }
0x48: {  	s0 =	simm.s32 @!p0 $0x1  }
0x49: {  	_ =	swait.ge @!p0 [sflag:s0], s1  }
0x4a: {  	s1 =	ssub.s32 @!p0 $0x0, s1;
	[sflag:s0] =	ssyncset.done @!p0 $0x0  }
0x4b: {  	[sflag:s0] =	ssyncadd.s32 @!p0 s1  }
0x4c: {  	[bflag:$0x3] =	sbarrier.arrive $0xFFFF  }
0x4d: {  	_ =	shalt  }

</sc_bundles>
